<compile_context>
chip_gen: v7x
topology: tpu7x:2x2x1
jax: 0.10.2.dev20260603
libtpu: 0.0.44.dev20260713+nightly
codegen_flags: <defaults>
</compile_context>

<pallas_src>
import functools

import jax
import jax.numpy as jnp
from jax import lax
from jax.experimental import pallas as pl
from jax.experimental.pallas import tpu as pltpu
from jax.experimental.pallas import tpu_sc as plsc

_B = 1024
_BANK = 4096
_S, _M = 64, 96
_NC = 2
_NS = 16
_NW = _NC * _NS
_SPW = _S // _NW
_CH = 8
_MCHUNK = _M // _CH
_NCHUNK = _SPW * _MCHUNK
_NPAIR = _NCHUNK // 2


def _gather_body(table_hbm, idx_hbm, out_hbm, idx_v,
                 in0, in1, out0, out1, gs0, gs1, ps0, ps1):
    wid = lax.axis_index("s") * _NC + lax.axis_index("c")
    s_base = wid * _SPW

    def src(c):
        return s_base + c // _MCHUNK, (c % _MCHUNK) * _CH

    def g_start(c, buf, sem):
        s, m0 = src(c)
        pltpu.async_copy(table_hbm.at[s, pl.ds(m0, _CH)], buf, sem)

    def g_wait(c, buf, sem):
        s, m0 = src(c)
        pltpu.make_async_copy(table_hbm.at[s, pl.ds(m0, _CH)], buf, sem).wait()

    def p_start(c, buf, sem):
        s, m0 = src(c)
        pltpu.async_copy(buf, out_hbm.at[s, pl.ds(m0, _CH)], sem)

    def p_wait(c, buf, sem):
        s, m0 = src(c)
        pltpu.make_async_copy(buf, out_hbm.at[s, pl.ds(m0, _CH)], sem).wait()

    def compact(inb, outb):
        def kbody(k2, carry):
            base = 32 * k2
            ivs = [idx_v[pl.ds(base + 16 * j, 16)] for j in range(2)]
            gs = []
            for r in range(_CH):
                rv = jnp.full((16,), r, jnp.int32)
                for j in range(2):
                    gs.append(plsc.load_gather(inb, [rv, ivs[j]]))
            i = 0
            for r in range(_CH):
                for j in range(2):
                    outb[r, pl.ds(base + 16 * j, 16)] = gs[i]
                    i += 1
            return carry

        lax.fori_loop(0, _B // 32, kbody, 0)

    g_start(0, in0, gs0)
    g_start(1, in1, gs1)
    pltpu.sync_copy(idx_hbm, idx_v)

    def pair(t, carry):
        c0 = 2 * t
        c1 = c0 + 1

        g_wait(c0, in0, gs0)
        pl.when(t > 0)(lambda: p_wait(c0 - 2, out0, ps0))
        compact(in0, out0)
        p_start(c0, out0, ps0)
        pl.when(t + 1 < _NPAIR)(lambda: g_start(c0 + 2, in0, gs0))

        g_wait(c1, in1, gs1)
        pl.when(t > 0)(lambda: p_wait(c1 - 2, out1, ps1))
        compact(in1, out1)
        p_start(c1, out1, ps1)
        pl.when(t + 1 < _NPAIR)(lambda: g_start(c1 + 2, in1, gs1))
        return carry

    lax.fori_loop(0, _NPAIR, pair, 0)
    p_wait(_NCHUNK - 2, out0, ps0)
    p_wait(_NCHUNK - 1, out1, ps1)


@functools.partial(
    pl.kernel,
    mesh=plsc.VectorSubcoreMesh(core_axis_name="c", subcore_axis_name="s"),
    out_type=jax.ShapeDtypeStruct((_S, _M, _B), jnp.float32),
    scratch_types=[
        pltpu.VMEM((_B,), jnp.int32),
        pltpu.VMEM((_CH, _BANK), jnp.float32),
        pltpu.VMEM((_CH, _BANK), jnp.float32),
        pltpu.VMEM((_CH, _B), jnp.float32),
        pltpu.VMEM((_CH, _B), jnp.float32),
        pltpu.SemaphoreType.DMA,
        pltpu.SemaphoreType.DMA,
        pltpu.SemaphoreType.DMA,
        pltpu.SemaphoreType.DMA,
    ],
    compiler_params=pltpu.CompilerParams(needs_layout_passes=False),
)
def _gather(table_hbm, idx_hbm, out_hbm, idx_v,
            in0, in1, out0, out1, gs0, gs1, ps0, ps1):
    _gather_body(table_hbm, idx_hbm, out_hbm, idx_v,
                 in0, in1, out0, out1, gs0, gs1, ps0, ps1)


def kernel(x, y, audio, pose, dummy):
    idx = jax.random.randint(
        jax.random.key(42), (y.shape[0],), 0, pose.shape[0]
    ).astype(jnp.int32)
    table_t = pose.transpose(1, 2, 0)
    out_t = _gather(table_t, idx)
    out = out_t.transpose(2, 0, 1)
    return out, jnp.sum(dummy)

# --- scband reference (transcript-rebuilt; emitter-appended) ---
"""Pipeline reference for scband-rand-g-88656714925148 (READ-ONLY COPY).

The authoritative reference and input builder live on the scoring server;
editing this copy changes nothing except your own understanding.
"""

import jax, jax.numpy as jnp
import numpy as np


def setup_inputs(seed: int = 0) -> dict:
    key = jax.random.key(seed)
    k1, k2, k3, k4 = jax.random.split(key, 4)
    x = jax.random.normal(k1, (1024, 64, 128), dtype=jnp.float32)
    y = jax.random.normal(k2, (1024, 64, 96), dtype=jnp.float32)
    audio = jax.random.normal(k3, (1024, 64, 128), dtype=jnp.float32)
    pose = jax.random.normal(k4, (4096, 64, 96), dtype=jnp.float32)
    dummy = jnp.zeros((1,), dtype=jnp.float32)
    return {"x": x, "y": y, "audio": audio, "pose": pose, "dummy": dummy}


def reference(x, y, audio, pose, dummy):
    # Rand_G.forward: sample random indices into the pose bank and gather rows.
    # torch.randint(low=0, high=pose.shape[0], size=(y.shape[0],)) -> jax.random.randint
    idx = jax.random.randint(jax.random.key(42), (y.shape[0],), 0, pose.shape[0])
    out = jnp.take(pose, idx, axis=0)  # gather: pose[idx]
    internal_loss = jnp.sum(dummy)     # internal_losses = [self.dummy.sum()]
    return (out, internal_loss)

if __name__ == "__main__":
    import jax
    _d = setup_inputs()
    print(jax.jit(kernel)(*tuple(_d.values())))

</pallas_src>

<mosaic_0001>
#map = affine_map<(d0, d1) -> (0, 0, 0)>
#map1 = affine_map<(d0, d1) -> (0)>
module attributes {stable_mosaic.version = 14 : i64} {
  func.func @_gather(%arg0: i32, %arg1: i32, %arg2: memref<64x96x4096xf32, #tpu.memory_space<hbm>>, %arg3: memref<1024xi32, #tpu.memory_space<hbm>>, %arg4: memref<64x96x1024xf32, #tpu.memory_space<hbm>>, %arg5: memref<1024xi32, #tpu.memory_space<vmem>>, %arg6: memref<8x4096xf32, #tpu.memory_space<vmem>>, %arg7: memref<8x4096xf32, #tpu.memory_space<vmem>>, %arg8: memref<8x1024xf32, #tpu.memory_space<vmem>>, %arg9: memref<8x1024xf32, #tpu.memory_space<vmem>>, %arg10: memref<!tpu.dma_semaphore, #tpu.memory_space<semaphore_mem>>, %arg11: memref<!tpu.dma_semaphore, #tpu.memory_space<semaphore_mem>>, %arg12: memref<!tpu.dma_semaphore, #tpu.memory_space<semaphore_mem>>, %arg13: memref<!tpu.dma_semaphore, #tpu.memory_space<semaphore_mem>>) attributes {dimension_semantics = [#tpu.dimension_semantics<core_parallel>, #tpu.dimension_semantics<subcore_parallel>], iteration_bounds = array<i64: 2, 16>, scalar_prefetch = 0 : i64, scratch_operands = 9 : i64, tpu.core_type = #tpu.core_type<sc_vector_subcore>, window_params = [{transform_indices = #map}, {transform_indices = #map1}, {transform_indices = #map}]} {
    %mul3A = arith.constant 2 : i32
    %mul3A_0 = arith.muli %arg1, %mul3A : i32
    %add3A = arith.addi %mul3A_0, %arg0 : i32
    %mul3A_1 = arith.constant 2 : i32
    %mul3A_2 = arith.muli %add3A, %mul3A_1 : i32
    %add3A_3 = arith.constant 0 : i32
    %add3A_4 = arith.addi %mul3A_2, %add3A_3 : i32
    %dma_start3A = arith.constant 0 : i32
    %dma_start3A_5 = arith.constant 0 : i32
    %dma_start3A_6 = tpu.memref_slice %arg2[%add3A_4, %dma_start3A, %dma_start3A_5] : memref<64x96x4096xf32, #tpu.memory_space<hbm>> -> memref<1x8x4096xf32, #tpu.memory_space<hbm>>
    %dma_start3A_7 = tpu.memref_squeeze %dma_start3A_6 : memref<1x8x4096xf32, #tpu.memory_space<hbm>> -> memref<8x4096xf32, #tpu.memory_space<hbm>>
    %dma_start3A_8 = arith.constant 0 : i32
    %dma_start3A_9 = arith.constant 0 : i32
    %dma_start3A_10 = tpu.memref_slice %arg2[%add3A_4, %dma_start3A_8, %dma_start3A_9] : memref<64x96x4096xf32, #tpu.memory_space<hbm>> -> memref<1x8x4096xf32, #tpu.memory_space<hbm>>
    %dma_start3A_11 = tpu.memref_squeeze %dma_start3A_10 : memref<1x8x4096xf32, #tpu.memory_space<hbm>> -> memref<8x4096xf32, #tpu.memory_space<hbm>>
    tpu.enqueue_dma source(%dma_start3A_11 : memref<8x4096xf32, #tpu.memory_space<hbm>>) target(%arg6 : memref<8x4096xf32, #tpu.memory_space<vmem>>) target_semaphore(%arg10 : memref<!tpu.dma_semaphore, #tpu.memory_space<semaphore_mem>>)
    %add3A_12 = arith.constant 0 : i32
    %add3A_13 = arith.addi %mul3A_2, %add3A_12 : i32
    %dma_start3A_14 = arith.constant 8 : i32
    %dma_start3A_15 = arith.constant 0 : i32
    %dma_start3A_16 = tpu.memref_slice %arg2[%add3A_13, %dma_start3A_14, %dma_start3A_15] : memref<64x96x4096xf32, #tpu.memory_space<hbm>> -> memref<1x8x4096xf32, #tpu.memory_space<hbm>>
    %dma_start3A_17 = tpu.memref_squeeze %dma_start3A_16 : memref<1x8x4096xf32, #tpu.memory_space<hbm>> -> memref<8x4096xf32, #tpu.memory_space<hbm>>
    %dma_start3A_18 = arith.constant 8 : i32
    %dma_start3A_19 = arith.constant 0 : i32
    %dma_start3A_20 = tpu.memref_slice %arg2[%add3A_13, %dma_start3A_18, %dma_start3A_19] : memref<64x96x4096xf32, #tpu.memory_space<hbm>> -> memref<1x8x4096xf32, #tpu.memory_space<hbm>>
    %dma_start3A_21 = tpu.memref_squeeze %dma_start3A_20 : memref<1x8x4096xf32, #tpu.memory_space<hbm>> -> memref<8x4096xf32, #tpu.memory_space<hbm>>
    tpu.enqueue_dma source(%dma_start3A_21 : memref<8x4096xf32, #tpu.memory_space<hbm>>) target(%arg7 : memref<8x4096xf32, #tpu.memory_space<vmem>>) target_semaphore(%arg11 : memref<!tpu.dma_semaphore, #tpu.memory_space<semaphore_mem>>)
    "tpu.region"() ({
      %run_scoped3A = tpu.sem_alloc : memref<!tpu.dma_semaphore, #tpu.memory_space<semaphore_mem>>
      tpu.enqueue_dma source(%arg3 : memref<1024xi32, #tpu.memory_space<hbm>>) target(%arg5 : memref<1024xi32, #tpu.memory_space<vmem>>) target_semaphore(%run_scoped3A : memref<!tpu.dma_semaphore, #tpu.memory_space<semaphore_mem>>)
      tpu.wait_dma2 semaphore(%run_scoped3A : memref<!tpu.dma_semaphore, #tpu.memory_space<semaphore_mem>>) src(%arg3 : memref<1024xi32, #tpu.memory_space<hbm>>) dst(%arg5 : memref<1024xi32, #tpu.memory_space<vmem>>)
      tpu.yield
    }) : () -> ()
    %scan3A = arith.constant 0 : i32
    %scan3A_22 = arith.constant 0 : i32
    %scan3A_23 = arith.constant 12 : i32
    %scan3A_24 = arith.addi %scan3A_22, %scan3A_23 : i32
    %scan3A_25 = arith.constant 1 : i32
    scf.for %scan3A_46 = %scan3A_22 to %scan3A_24 step %scan3A_25  : i32 {
      %mul3A_47 = arith.constant 2 : i32
      %mul3A_48 = arith.muli %mul3A_47, %scan3A_46 : i32
      %add3A_49 = arith.constant 1 : i32
      %add3A_50 = arith.addi %mul3A_48, %add3A_49 : i32
      %jit3A = arith.constant 12 : i32
      %div3A = arith.divsi %mul3A_48, %jit3A : i32
      %sign3A = arith.constant 0 : i32
      %sign3A_51 = arith.cmpi sgt, %mul3A_48, %sign3A : i32
      %sign3A_52 = arith.extui %sign3A_51 : i1 to i32
      %sign3A_53 = arith.constant 0 : i32
      %sign3A_54 = arith.cmpi slt, %mul3A_48, %sign3A_53 : i32
      %sign3A_55 = arith.extui %sign3A_54 : i1 to i32
      %sign3A_56 = arith.subi %sign3A_52, %sign3A_55 : i32
      %sign3A_57 = arith.constant 0 : i32
      %sign3A_58 = arith.cmpi sgt, %jit3A, %sign3A_57 : i32
      %sign3A_59 = arith.extui %sign3A_58 : i1 to i32
      %sign3A_60 = arith.constant 0 : i32
      %sign3A_61 = arith.cmpi slt, %jit3A, %sign3A_60 : i32
      %sign3A_62 = arith.extui %sign3A_61 : i1 to i32
      %sign3A_63 = arith.subi %sign3A_59, %sign3A_62 : i32
      %ne3A = arith.cmpi ne, %sign3A_56, %sign3A_63 : i32
      %rem3A = arith.remsi %mul3A_48, %jit3A : i32
      %ne3A_64 = arith.constant 0 : i32
      %ne3A_65 = arith.cmpi ne, %rem3A, %ne3A_64 : i32
      %and3A = arith.andi %ne3A, %ne3A_65 : i1
      %sub3A = arith.constant 1 : i32
      %sub3A_66 = arith.subi %div3A, %sub3A : i32
      %select_n3A = arith.select %and3A, %sub3A_66, %div3A : i32
      %add3A_67 = arith.addi %mul3A_2, %select_n3A : i32
      %jit3A_68 = arith.constant 12 : i32
      %eq3A = arith.constant 0 : i32
      %eq3A_69 = arith.cmpi eq, %jit3A_68, %eq3A : i32
      %jit3A_70 = arith.constant 1 : i32
      %select_n3A_71 = arith.select %eq3A_69, %jit3A_70, %jit3A_68 : i32
      %rem3A_72 = arith.remsi %mul3A_48, %select_n3A_71 : i32
      %ne3A_73 = arith.constant 0 : i32
      %ne3A_74 = arith.cmpi ne, %rem3A_72, %ne3A_73 : i32
      %lt3A = arith.constant 0 : i32
      %lt3A_75 = arith.cmpi slt, %rem3A_72, %lt3A : i32
      %lt3A_76 = arith.constant 0 : i32
      %lt3A_77 = arith.cmpi slt, %select_n3A_71, %lt3A_76 : i32
      %ne3A_78 = arith.xori %lt3A_75, %lt3A_77 : i1
      %and3A_79 = arith.andi %ne3A_78, %ne3A_74 : i1
      %add3A_80 = arith.addi %rem3A_72, %select_n3A_71 : i32
      %select_n3A_81 = arith.select %and3A_79, %add3A_80, %rem3A_72 : i32
      %mul3A_82 = arith.constant 8 : i32
      %mul3A_83 = arith.muli %select_n3A_81, %mul3A_82 : i32
      %dma_wait3A_84 = arith.constant 0 : i32
      %dma_wait3A_85 = tpu.memref_slice %arg2[%add3A_67, %mul3A_83, %dma_wait3A_84] : memref<64x96x4096xf32, #tpu.memory_space<hbm>> -> memref<1x8x4096xf32, #tpu.memory_space<hbm>>
      %dma_wait3A_86 = tpu.memref_squeeze %dma_wait3A_85 : memref<1x8x4096xf32, #tpu.memory_space<hbm>> -> memref<8x4096xf32, #tpu.memory_space<hbm>>
      %dma_wait3A_87 = arith.constant 0 : i32
      %dma_wait3A_88 = tpu.memref_slice %arg2[%add3A_67, %mul3A_83, %dma_wait3A_87] : memref<64x96x4096xf32, #tpu.memory_space<hbm>> -> memref<1x8x4096xf32, #tpu.memory_space<hbm>>
      %dma_wait3A_89 = tpu.memref_squeeze %dma_wait3A_88 : memref<1x8x4096xf32, #tpu.memory_space<hbm>> -> memref<8x4096xf32, #tpu.memory_space<hbm>>
      tpu.wait_dma2 semaphore(%arg10 : memref<!tpu.dma_semaphore, #tpu.memory_space<semaphore_mem>>) src(%dma_wait3A_89 : memref<8x4096xf32, #tpu.memory_space<hbm>>) dst(%arg6 : memref<8x4096xf32, #tpu.memory_space<vmem>>)
      %gt3A = arith.constant 0 : i32
      %gt3A_90 = arith.cmpi sgt, %scan3A_46, %gt3A : i32
      %convert_element_type3A = arith.extui %gt3A_90 : i1 to i32
      %cond3A = arith.constant 0 : i32
      %cond3A_91 = arith.cmpi ne, %convert_element_type3A, %cond3A : i32
      scf.if %cond3A_91 {
        %sub3A_270 = arith.constant 2 : i32
        %sub3A_271 = arith.subi %mul3A_48, %sub3A_270 : i32
        %jit3A_272 = arith.constant 12 : i32
        %div3A_273 = arith.divsi %sub3A_271, %jit3A_272 : i32
        %sign3A_274 = arith.constant 0 : i32
        %sign3A_275 = arith.cmpi sgt, %sub3A_271, %sign3A_274 : i32
        %sign3A_276 = arith.extui %sign3A_275 : i1 to i32
        %sign3A_277 = arith.constant 0 : i32
        %sign3A_278 = arith.cmpi slt, %sub3A_271, %sign3A_277 : i32
        %sign3A_279 = arith.extui %sign3A_278 : i1 to i32
        %sign3A_280 = arith.subi %sign3A_276, %sign3A_279 : i32
        %sign3A_281 = arith.constant 0 : i32
        %sign3A_282 = arith.cmpi sgt, %jit3A_272, %sign3A_281 : i32
        %sign3A_283 = arith.extui %sign3A_282 : i1 to i32
        %sign3A_284 = arith.constant 0 : i32
        %sign3A_285 = arith.cmpi slt, %jit3A_272, %sign3A_284 : i32
        %sign3A_286 = arith.extui %sign3A_285 : i1 to i32
        %sign3A_287 = arith.subi %sign3A_283, %sign3A_286 : i32
        %ne3A_288 = arith.cmpi ne, %sign3A_280, %sign3A_287 : i32
        %rem3A_289 = arith.remsi %sub3A_271, %jit3A_272 : i32
        %ne3A_290 = arith.constant 0 : i32
        %ne3A_291 = arith.cmpi ne, %rem3A_289, %ne3A_290 : i32
        %and3A_292 = arith.andi %ne3A_288, %ne3A_291 : i1
        %sub3A_293 = arith.constant 1 : i32
        %sub3A_294 = arith.subi %div3A_273, %sub3A_293 : i32
        %select_n3A_295 = arith.select %and3A_292, %sub3A_294, %div3A_273 : i32
        %add3A_296 = arith.addi %mul3A_2, %select_n3A_295 : i32
        %jit3A_297 = arith.constant 12 : i32
        %eq3A_298 = arith.constant 0 : i32
        %eq3A_299 = arith.cmpi eq, %jit3A_297, %eq3A_298 : i32
        %jit3A_300 = arith.constant 1 : i32
        %select_n3A_301 = arith.select %eq3A_299, %jit3A_300, %jit3A_297 : i32
        %rem3A_302 = arith.remsi %sub3A_271, %select_n3A_301 : i32
        %ne3A_303 = arith.constant 0 : i32
        %ne3A_304 = arith.cmpi ne, %rem3A_302, %ne3A_303 : i32
        %lt3A_305 = arith.constant 0 : i32
        %lt3A_306 = arith.cmpi slt, %rem3A_302, %lt3A_305 : i32
        %lt3A_307 = arith.constant 0 : i32
        %lt3A_308 = arith.cmpi slt, %select_n3A_301, %lt3A_307 : i32
        %ne3A_309 = arith.xori %lt3A_306, %lt3A_308 : i1
        %and3A_310 = arith.andi %ne3A_309, %ne3A_304 : i1
        %add3A_311 = arith.addi %rem3A_302, %select_n3A_301 : i32
        %select_n3A_312 = arith.select %and3A_310, %add3A_311, %rem3A_302 : i32
        %mul3A_313 = arith.constant 8 : i32
        %mul3A_314 = arith.muli %select_n3A_312, %mul3A_313 : i32
        %dma_wait3A_315 = arith.constant 0 : i32
        %dma_wait3A_316 = tpu.memref_slice %arg4[%add3A_296, %mul3A_314, %dma_wait3A_315] : memref<64x96x1024xf32, #tpu.memory_space<hbm>> -> memref<1x8x1024xf32, #tpu.memory_space<hbm>>
        %dma_wait3A_317 = tpu.memref_squeeze %dma_wait3A_316 : memref<1x8x1024xf32, #tpu.memory_space<hbm>> -> memref<8x1024xf32, #tpu.memory_space<hbm>>
        %dma_wait3A_318 = arith.constant 0 : i32
        %dma_wait3A_319 = tpu.memref_slice %arg4[%add3A_296, %mul3A_314, %dma_wait3A_318] : memref<64x96x1024xf32, #tpu.memory_space<hbm>> -> memref<1x8x1024xf32, #tpu.memory_space<hbm>>
        %dma_wait3A_320 = tpu.memref_squeeze %dma_wait3A_319 : memref<1x8x1024xf32, #tpu.memory_space<hbm>> -> memref<8x1024xf32, #tpu.memory_space<hbm>>
        tpu.wait_dma2 semaphore(%arg12 : memref<!tpu.dma_semaphore, #tpu.memory_space<semaphore_mem>>) src(%arg8 : memref<8x1024xf32, #tpu.memory_space<vmem>>) dst(%dma_wait3A_320 : memref<8x1024xf32, #tpu.memory_space<hbm>>)
      } else {
      }
      %scan3A_92 = arith.constant 0 : i32
      %scan3A_93 = arith.constant 0 : i32
      %scan3A_94 = arith.constant 32 : i32
      %scan3A_95 = arith.addi %scan3A_93, %scan3A_94 : i32
      %scan3A_96 = arith.constant 1 : i32
      scf.for %scan3A_270 = %scan3A_93 to %scan3A_95 step %scan3A_96  : i32 {
        %mul3A_271 = arith.constant 32 : i32
        %mul3A_272 = arith.muli %mul3A_271, %scan3A_270 : i32
        %add3A_273 = arith.constant 0 : i32
        %add3A_274 = arith.addi %mul3A_272, %add3A_273 : i32
        %get3A = arith.index_cast %add3A_274 : i32 to index
        %get3A_275 = tpu.vector_load %arg5[%get3A] {strides = array<i32>} : memref<1024xi32, #tpu.memory_space<vmem>>, vector<16xi32>,
        %add3A_276 = arith.constant 16 : i32
        %add3A_277 = arith.addi %mul3A_272, %add3A_276 : i32
        %get3A_278 = arith.index_cast %add3A_277 : i32 to index
        %get3A_279 = tpu.vector_load %arg5[%get3A_278] {strides = array<i32>} : memref<1024xi32, #tpu.memory_space<vmem>>, vector<16xi32>,
        %broadcast_in_dim3A = arith.constant 0 : i32
        %broadcast_in_dim3A_280 = vector.broadcast %broadcast_in_dim3A : i32 to vector<16xi32>
        %gather3A = tpu.vector_load_idx %arg6[%broadcast_in_dim3A_280, %get3A_275] : memref<8x4096xf32, #tpu.memory_space<vmem>>[vector<16xi32>, vector<16xi32>], vector<16xf32>,
        %gather3A_281 = tpu.vector_load_idx %arg6[%broadcast_in_dim3A_280, %get3A_279] : memref<8x4096xf32, #tpu.memory_space<vmem>>[vector<16xi32>, vector<16xi32>], vector<16xf32>,
        %broadcast_in_dim3A_282 = arith.constant 1 : i32
        %broadcast_in_dim3A_283 = vector.broadcast %broadcast_in_dim3A_282 : i32 to vector<16xi32>
        %gather3A_284 = tpu.vector_load_idx %arg6[%broadcast_in_dim3A_283, %get3A_275] : memref<8x4096xf32, #tpu.memory_space<vmem>>[vector<16xi32>, vector<16xi32>], vector<16xf32>,
        %gather3A_285 = tpu.vector_load_idx %arg6[%broadcast_in_dim3A_283, %get3A_279] : memref<8x4096xf32, #tpu.memory_space<vmem>>[vector<16xi32>, vector<16xi32>], vector<16xf32>,
        %broadcast_in_dim3A_286 = arith.constant 2 : i32
        %broadcast_in_dim3A_287 = vector.broadcast %broadcast_in_dim3A_286 : i32 to vector<16xi32>
        %gather3A_288 = tpu.vector_load_idx %arg6[%broadcast_in_dim3A_287, %get3A_275] : memref<8x4096xf32, #tpu.memory_space<vmem>>[vector<16xi32>, vector<16xi32>], vector<16xf32>,
        %gather3A_289 = tpu.vector_load_idx %arg6[%broadcast_in_dim3A_287, %get3A_279] : memref<8x4096xf32, #tpu.memory_space<vmem>>[vector<16xi32>, vector<16xi32>], vector<16xf32>,
        %broadcast_in_dim3A_290 = arith.constant 3 : i32
        %broadcast_in_dim3A_291 = vector.broadcast %broadcast_in_dim3A_290 : i32 to vector<16xi32>
        %gather3A_292 = tpu.vector_load_idx %arg6[%broadcast_in_dim3A_291, %get3A_275] : memref<8x4096xf32, #tpu.memory_space<vmem>>[vector<16xi32>, vector<16xi32>], vector<16xf32>,
        %gather3A_293 = tpu.vector_load_idx %arg6[%broadcast_in_dim3A_291, %get3A_279] : memref<8x4096xf32, #tpu.memory_space<vmem>>[vector<16xi32>, vector<16xi32>], vector<16xf32>,
        %broadcast_in_dim3A_294 = arith.constant 4 : i32
        %broadcast_in_dim3A_295 = vector.broadcast %broadcast_in_dim3A_294 : i32 to vector<16xi32>
        %gather3A_296 = tpu.vector_load_idx %arg6[%broadcast_in_dim3A_295, %get3A_275] : memref<8x4096xf32, #tpu.memory_space<vmem>>[vector<16xi32>, vector<16xi32>], vector<16xf32>,
        %gather3A_297 = tpu.vector_load_idx %arg6[%broadcast_in_dim3A_295, %get3A_279] : memref<8x4096xf32, #tpu.memory_space<vmem>>[vector<16xi32>, vector<16xi32>], vector<16xf32>,
        %broadcast_in_dim3A_298 = arith.constant 5 : i32
        %broadcast_in_dim3A_299 = vector.broadcast %broadcast_in_dim3A_298 : i32 to vector<16xi32>
        %gather3A_300 = tpu.vector_load_idx %arg6[%broadcast_in_dim3A_299, %get3A_275] : memref<8x4096xf32, #tpu.memory_space<vmem>>[vector<16xi32>, vector<16xi32>], vector<16xf32>,
        %gather3A_301 = tpu.vector_load_idx %arg6[%broadcast_in_dim3A_299, %get3A_279] : memref<8x4096xf32, #tpu.memory_space<vmem>>[vector<16xi32>, vector<16xi32>], vector<16xf32>,
        %broadcast_in_dim3A_302 = arith.constant 6 : i32
        %broadcast_in_dim3A_303 = vector.broadcast %broadcast_in_dim3A_302 : i32 to vector<16xi32>
        %gather3A_304 = tpu.vector_load_idx %arg6[%broadcast_in_dim3A_303, %get3A_275] : memref<8x4096xf32, #tpu.memory_space<vmem>>[vector<16xi32>, vector<16xi32>], vector<16xf32>,
        %gather3A_305 = tpu.vector_load_idx %arg6[%broadcast_in_dim3A_303, %get3A_279] : memref<8x4096xf32, #tpu.memory_space<vmem>>[vector<16xi32>, vector<16xi32>], vector<16xf32>,
        %broadcast_in_dim3A_306 = arith.constant 7 : i32
        %broadcast_in_dim3A_307 = vector.broadcast %broadcast_in_dim3A_306 : i32 to vector<16xi32>
        %gather3A_308 = tpu.vector_load_idx %arg6[%broadcast_in_dim3A_307, %get3A_275] : memref<8x4096xf32, #tpu.memory_space<vmem>>[vector<16xi32>, vector<16xi32>], vector<16xf32>,
        %gather3A_309 = tpu.vector_load_idx %arg6[%broadcast_in_dim3A_307, %get3A_279] : memref<8x4096xf32, #tpu.memory_space<vmem>>[vector<16xi32>, vector<16xi32>], vector<16xf32>,
        %add3A_310 = arith.constant 0 : i32
        %add3A_311 = arith.addi %mul3A_272, %add3A_310 : i32
        %swap3A = arith.constant 0 : i32
        %swap3A_312 = arith.index_cast %swap3A : i32 to index
        %swap3A_313 = arith.index_cast %add3A_311 : i32 to index
        %swap3A_314 = tpu.vector_load %arg8[%swap3A_312, %swap3A_313] {strides = array<i32>} : memref<8x1024xf32, #tpu.memory_space<vmem>>, vector<16xf32>,
        tpu.vector_store %arg8[%swap3A_312, %swap3A_313], %gather3A {strides = array<i32>} : memref<8x1024xf32, #tpu.memory_space<vmem>>, vector<16xf32>,
        %add3A_315 = arith.constant 16 : i32
        %add3A_316 = arith.addi %mul3A_272, %add3A_315 : i32
        %swap3A_317 = arith.constant 0 : i32
        %swap3A_318 = arith.index_cast %swap3A_317 : i32 to index
        %swap3A_319 = arith.index_cast %add3A_316 : i32 to index
        %swap3A_320 = tpu.vector_load %arg8[%swap3A_318, %swap3A_319] {strides = array<i32>} : memref<8x1024xf32, #tpu.memory_space<vmem>>, vector<16xf32>,
        tpu.vector_store %arg8[%swap3A_318, %swap3A_319], %gather3A_281 {strides = array<i32>} : memref<8x1024xf32, #tpu.memory_space<vmem>>, vector<16xf32>,
        %add3A_321 = arith.constant 0 : i32
        %add3A_322 = arith.addi %mul3A_272, %add3A_321 : i32
        %swap3A_323 = arith.constant 1 : i32
        %swap3A_324 = arith.index_cast %swap3A_323 : i32 to index
        %swap3A_325 = arith.index_cast %add3A_322 : i32 to index
        %swap3A_326 = tpu.vector_load %arg8[%swap3A_324, %swap3A_325] {strides = array<i32>} : memref<8x1024xf32, #tpu.memory_space<vmem>>, vector<16xf32>,
        tpu.vector_store %arg8[%swap3A_324, %swap3A_325], %gather3A_284 {strides = array<i32>} : memref<8x1024xf32, #tpu.memory_space<vmem>>, vector<16xf32>,
        %add3A_327 = arith.constant 16 : i32
        %add3A_328 = arith.addi %mul3A_272, %add3A_327 : i32
        %swap3A_329 = arith.constant 1 : i32
        %swap3A_330 = arith.index_cast %swap3A_329 : i32 to index
        %swap3A_331 = arith.index_cast %add3A_328 : i32 to index
        %swap3A_332 = tpu.vector_load %arg8[%swap3A_330, %swap3A_331] {strides = array<i32>} : memref<8x1024xf32, #tpu.memory_space<vmem>>, vector<16xf32>,
        tpu.vector_store %arg8[%swap3A_330, %swap3A_331], %gather3A_285 {strides = array<i32>} : memref<8x1024xf32, #tpu.memory_space<vmem>>, vector<16xf32>,
        %add3A_333 = arith.constant 0 : i32
        %add3A_334 = arith.addi %mul3A_272, %add3A_333 : i32
        %swap3A_335 = arith.constant 2 : i32
        %swap3A_336 = arith.index_cast %swap3A_335 : i32 to index
        %swap3A_337 = arith.index_cast %add3A_334 : i32 to index
        %swap3A_338 = tpu.vector_load %arg8[%swap3A_336, %swap3A_337] {strides = array<i32>} : memref<8x1024xf32, #tpu.memory_space<vmem>>, vector<16xf32>,
        tpu.vector_store %arg8[%swap3A_336, %swap3A_337], %gather3A_288 {strides = array<i32>} : memref<8x1024xf32, #tpu.memory_space<vmem>>, vector<16xf32>,
        %add3A_339 = arith.constant 16 : i32
        %add3A_340 = arith.addi %mul3A_272, %add3A_339 : i32
        %swap3A_341 = arith.constant 2 : i32
        %swap3A_342 = arith.index_cast %swap3A_341 : i32 to index
        %swap3A_343 = arith.index_cast %add3A_340 : i32 to index
        %swap3A_344 = tpu.vector_load %arg8[%swap3A_342, %swap3A_343] {strides = array<i32>} : memref<8x1024xf32, #tpu.memory_space<vmem>>, vector<16xf32>,
        tpu.vector_store %arg8[%swap3A_342, %swap3A_343], %gather3A_289 {strides = array<i32>} : memref<8x1024xf32, #tpu.memory_space<vmem>>, vector<16xf32>,
        %add3A_345 = arith.constant 0 : i32
        %add3A_346 = arith.addi %mul3A_272, %add3A_345 : i32
        %swap3A_347 = arith.constant 3 : i32
        %swap3A_348 = arith.index_cast %swap3A_347 : i32 to index
        %swap3A_349 = arith.index_cast %add3A_346 : i32 to index
        %swap3A_350 = tpu.vector_load %arg8[%swap3A_348, %swap3A_349] {strides = array<i32>} : memref<8x1024xf32, #tpu.memory_space<vmem>>, vector<16xf32>,
        tpu.vector_store %arg8[%swap3A_348, %swap3A_349], %gather3A_292 {strides = array<i32>} : memref<8x1024xf32, #tpu.memory_space<vmem>>, vector<16xf32>,
        %add3A_351 = arith.constant 16 : i32
        %add3A_352 = arith.addi %mul3A_272, %add3A_351 : i32
        %swap3A_353 = arith.constant 3 : i32
        %swap3A_354 = arith.index_cast %swap3A_353 : i32 to index
        %swap3A_355 = arith.index_cast %add3A_352 : i32 to index
        %swap3A_356 = tpu.vector_load %arg8[%swap3A_354, %swap3A_355] {strides = array<i32>} : memref<8x1024xf32, #tpu.memory_space<vmem>>, vector<16xf32>,
        tpu.vector_store %arg8[%swap3A_354, %swap3A_355], %gather3A_293 {strides = array<i32>} : memref<8x1024xf32, #tpu.memory_space<vmem>>, vector<16xf32>,
        %add3A_357 = arith.constant 0 : i32
        %add3A_358 = arith.addi %mul3A_272, %add3A_357 : i32
        %swap3A_359 = arith.constant 4 : i32
        %swap3A_360 = arith.index_cast %swap3A_359 : i32 to index
        %swap3A_361 = arith.index_cast %add3A_358 : i32 to index
        %swap3A_362 = tpu.vector_load %arg8[%swap3A_360, %swap3A_361] {strides = array<i32>} : memref<8x1024xf32, #tpu.memory_space<vmem>>, vector<16xf32>,
        tpu.vector_store %arg8[%swap3A_360, %swap3A_361], %gather3A_296 {strides = array<i32>} : memref<8x1024xf32, #tpu.memory_space<vmem>>, vector<16xf32>,
        %add3A_363 = arith.constant 16 : i32
        %add3A_364 = arith.addi %mul3A_272, %add3A_363 : i32
        %swap3A_365 = arith.constant 4 : i32
        %swap3A_366 = arith.index_cast %swap3A_365 : i32 to index
        %swap3A_367 = arith.index_cast %add3A_364 : i32 to index
        %swap3A_368 = tpu.vector_load %arg8[%swap3A_366, %swap3A_367] {strides = array<i32>} : memref<8x1024xf32, #tpu.memory_space<vmem>>, vector<16xf32>,
        tpu.vector_store %arg8[%swap3A_366, %swap3A_367], %gather3A_297 {strides = array<i32>} : memref<8x1024xf32, #tpu.memory_space<vmem>>, vector<16xf32>,
        %add3A_369 = arith.constant 0 : i32
        %add3A_370 = arith.addi %mul3A_272, %add3A_369 : i32
        %swap3A_371 = arith.constant 5 : i32
        %swap3A_372 = arith.index_cast %swap3A_371 : i32 to index
        %swap3A_373 = arith.index_cast %add3A_370 : i32 to index
        %swap3A_374 = tpu.vector_load %arg8[%swap3A_372, %swap3A_373] {strides = array<i32>} : memref<8x1024xf32, #tpu.memory_space<vmem>>, vector<16xf32>,
        tpu.vector_store %arg8[%swap3A_372, %swap3A_373], %gather3A_300 {strides = array<i32>} : memref<8x1024xf32, #tpu.memory_space<vmem>>, vector<16xf32>,
        %add3A_375 = arith.constant 16 : i32
        %add3A_376 = arith.addi %mul3A_272, %add3A_375 : i32
        %swap3A_377 = arith.constant 5 : i32
        %swap3A_378 = arith.index_cast %swap3A_377 : i32 to index
        %swap3A_379 = arith.index_cast %add3A_376 : i32 to index
        %swap3A_380 = tpu.vector_load %arg8[%swap3A_378, %swap3A_379] {strides = array<i32>} : memref<8x1024xf32, #tpu.memory_space<vmem>>, vector<16xf32>,
        tpu.vector_store %arg8[%swap3A_378, %swap3A_379], %gather3A_301 {strides = array<i32>} : memref<8x1024xf32, #tpu.memory_space<vmem>>, vector<16xf32>,
        %add3A_381 = arith.constant 0 : i32
        %add3A_382 = arith.addi %mul3A_272, %add3A_381 : i32
        %swap3A_383 = arith.constant 6 : i32
        %swap3A_384 = arith.index_cast %swap3A_383 : i32 to index
        %swap3A_385 = arith.index_cast %add3A_382 : i32 to index
        %swap3A_386 = tpu.vector_load %arg8[%swap3A_384, %swap3A_385] {strides = array<i32>} : memref<8x1024xf32, #tpu.memory_space<vmem>>, vector<16xf32>,
        tpu.vector_store %arg8[%swap3A_384, %swap3A_385], %gather3A_304 {strides = array<i32>} : memref<8x1024xf32, #tpu.memory_space<vmem>>, vector<16xf32>,
        %add3A_387 = arith.constant 16 : i32
        %add3A_388 = arith.addi %mul3A_272, %add3A_387 : i32
        %swap3A_389 = arith.constant 6 : i32
        %swap3A_390 = arith.index_cast %swap3A_389 : i32 to index
        %swap3A_391 = arith.index_cast %add3A_388 : i32 to index
        %swap3A_392 = tpu.vector_load %arg8[%swap3A_390, %swap3A_391] {strides = array<i32>} : memref<8x1024xf32, #tpu.memory_space<vmem>>, vector<16xf32>,
        tpu.vector_store %arg8[%swap3A_390, %swap3A_391], %gather3A_305 {strides = array<i32>} : memref<8x1024xf32, #tpu.memory_space<vmem>>, vector<16xf32>,
        %add3A_393 = arith.constant 0 : i32
        %add3A_394 = arith.addi %mul3A_272, %add3A_393 : i32
        %swap3A_395 = arith.constant 7 : i32
        %swap3A_396 = arith.index_cast %swap3A_395 : i32 to index
        %swap3A_397 = arith.index_cast %add3A_394 : i32 to index
        %swap3A_398 = tpu.vector_load %arg8[%swap3A_396, %swap3A_397] {strides = array<i32>} : memref<8x1024xf32, #tpu.memory_space<vmem>>, vector<16xf32>,
        tpu.vector_store %arg8[%swap3A_396, %swap3A_397], %gather3A_308 {strides = array<i32>} : memref<8x1024xf32, #tpu.memory_space<vmem>>, vector<16xf32>,
        %add3A_399 = arith.constant 16 : i32
        %add3A_400 = arith.addi %mul3A_272, %add3A_399 : i32
        %swap3A_401 = arith.constant 7 : i32
        %swap3A_402 = arith.index_cast %swap3A_401 : i32 to index
        %swap3A_403 = arith.index_cast %add3A_400 : i32 to index
        %swap3A_404 = tpu.vector_load %arg8[%swap3A_402, %swap3A_403] {strides = array<i32>} : memref<8x1024xf32, #tpu.memory_space<vmem>>, vector<16xf32>,
        tpu.vector_store %arg8[%swap3A_402, %swap3A_403], %gather3A_309 {strides = array<i32>} : memref<8x1024xf32, #tpu.memory_space<vmem>>, vector<16xf32>,
      }
      %scan3A_97 = arith.constant 32 : i32
      %jit3A_98 = arith.constant 12 : i32
      %div3A_99 = arith.divsi %mul3A_48, %jit3A_98 : i32
      %sign3A_100 = arith.constant 0 : i32
      %sign3A_101 = arith.cmpi sgt, %mul3A_48, %sign3A_100 : i32
      %sign3A_102 = arith.extui %sign3A_101 : i1 to i32
      %sign3A_103 = arith.constant 0 : i32
      %sign3A_104 = arith.cmpi slt, %mul3A_48, %sign3A_103 : i32
      %sign3A_105 = arith.extui %sign3A_104 : i1 to i32
      %sign3A_106 = arith.subi %sign3A_102, %sign3A_105 : i32
      %sign3A_107 = arith.constant 0 : i32
      %sign3A_108 = arith.cmpi sgt, %jit3A_98, %sign3A_107 : i32
      %sign3A_109 = arith.extui %sign3A_108 : i1 to i32
      %sign3A_110 = arith.constant 0 : i32
      %sign3A_111 = arith.cmpi slt, %jit3A_98, %sign3A_110 : i32
      %sign3A_112 = arith.extui %sign3A_111 : i1 to i32
      %sign3A_113 = arith.subi %sign3A_109, %sign3A_112 : i32
      %ne3A_114 = arith.cmpi ne, %sign3A_106, %sign3A_113 : i32
      %rem3A_115 = arith.remsi %mul3A_48, %jit3A_98 : i32
      %ne3A_116 = arith.constant 0 : i32
      %ne3A_117 = arith.cmpi ne, %rem3A_115, %ne3A_116 : i32
      %and3A_118 = arith.andi %ne3A_114, %ne3A_117 : i1
      %sub3A_119 = arith.constant 1 : i32
      %sub3A_120 = arith.subi %div3A_99, %sub3A_119 : i32
      %select_n3A_121 = arith.select %and3A_118, %sub3A_120, %div3A_99 : i32
      %add3A_122 = arith.addi %mul3A_2, %select_n3A_121 : i32
      %jit3A_123 = arith.constant 12 : i32
      %eq3A_124 = arith.constant 0 : i32
      %eq3A_125 = arith.cmpi eq, %jit3A_123, %eq3A_124 : i32
      %jit3A_126 = arith.constant 1 : i32
      %select_n3A_127 = arith.select %eq3A_125, %jit3A_126, %jit3A_123 : i32
      %rem3A_128 = arith.remsi %mul3A_48, %select_n3A_127 : i32
      %ne3A_129 = arith.constant 0 : i32
      %ne3A_130 = arith.cmpi ne, %rem3A_128, %ne3A_129 : i32
      %lt3A_131 = arith.constant 0 : i32
      %lt3A_132 = arith.cmpi slt, %rem3A_128, %lt3A_131 : i32
      %lt3A_133 = arith.constant 0 : i32
      %lt3A_134 = arith.cmpi slt, %select_n3A_127, %lt3A_133 : i32
      %ne3A_135 = arith.xori %lt3A_132, %lt3A_134 : i1
      %and3A_136 = arith.andi %ne3A_135, %ne3A_130 : i1
      %add3A_137 = arith.addi %rem3A_128, %select_n3A_127 : i32
      %select_n3A_138 = arith.select %and3A_136, %add3A_137, %rem3A_128 : i32
      %mul3A_139 = arith.constant 8 : i32
      %mul3A_140 = arith.muli %select_n3A_138, %mul3A_139 : i32
      %dma_start3A_141 = arith.constant 0 : i32
      %dma_start3A_142 = tpu.memref_slice %arg4[%add3A_122, %mul3A_140, %dma_start3A_141] : memref<64x96x1024xf32, #tpu.memory_space<hbm>> -> memref<1x8x1024xf32, #tpu.memory_space<hbm>>
      %dma_start3A_143 = tpu.memref_squeeze %dma_start3A_142 : memref<1x8x1024xf32, #tpu.memory_space<hbm>> -> memref<8x1024xf32, #tpu.memory_space<hbm>>
      %dma_start3A_144 = arith.constant 0 : i32
      %dma_start3A_145 = tpu.memref_slice %arg4[%add3A_122, %mul3A_140, %dma_start3A_144] : memref<64x96x1024xf32, #tpu.memory_space<hbm>> -> memref<1x8x1024xf32, #tpu.memory_space<hbm>>
      %dma_start3A_146 = tpu.memref_squeeze %dma_start3A_145 : memref<1x8x1024xf32, #tpu.memory_space<hbm>> -> memref<8x1024xf32, #tpu.memory_space<hbm>>
      tpu.enqueue_dma source(%arg8 : memref<8x1024xf32, #tpu.memory_space<vmem>>) target(%dma_start3A_146 : memref<8x1024xf32, #tpu.memory_space<hbm>>) target_semaphore(%arg12 : memref<!tpu.dma_semaphore, #tpu.memory_space<semaphore_mem>>)
      %add3A_147 = arith.constant 1 : i32
      %add3A_148 = arith.addi %scan3A_46, %add3A_147 : i32
      %lt3A_149 = arith.constant 12 : i32
      %lt3A_150 = arith.cmpi slt, %add3A_148, %lt3A_149 : i32
      %convert_element_type3A_151 = arith.extui %lt3A_150 : i1 to i32
      %cond3A_152 = arith.constant 0 : i32
      %cond3A_153 = arith.cmpi ne, %convert_element_type3A_151, %cond3A_152 : i32
      scf.if %cond3A_153 {
        %add3A_270 = arith.constant 2 : i32
        %add3A_271 = arith.addi %mul3A_48, %add3A_270 : i32
        %jit3A_272 = arith.constant 12 : i32
        %div3A_273 = arith.divsi %add3A_271, %jit3A_272 : i32
        %sign3A_274 = arith.constant 0 : i32
        %sign3A_275 = arith.cmpi sgt, %add3A_271, %sign3A_274 : i32
        %sign3A_276 = arith.extui %sign3A_275 : i1 to i32
        %sign3A_277 = arith.constant 0 : i32
        %sign3A_278 = arith.cmpi slt, %add3A_271, %sign3A_277 : i32
        %sign3A_279 = arith.extui %sign3A_278 : i1 to i32
        %sign3A_280 = arith.subi %sign3A_276, %sign3A_279 : i32
        %sign3A_281 = arith.constant 0 : i32
        %sign3A_282 = arith.cmpi sgt, %jit3A_272, %sign3A_281 : i32
        %sign3A_283 = arith.extui %sign3A_282 : i1 to i32
        %sign3A_284 = arith.constant 0 : i32
        %sign3A_285 = arith.cmpi slt, %jit3A_272, %sign3A_284 : i32
        %sign3A_286 = arith.extui %sign3A_285 : i1 to i32
        %sign3A_287 = arith.subi %sign3A_283, %sign3A_286 : i32
        %ne3A_288 = arith.cmpi ne, %sign3A_280, %sign3A_287 : i32
        %rem3A_289 = arith.remsi %add3A_271, %jit3A_272 : i32
        %ne3A_290 = arith.constant 0 : i32
        %ne3A_291 = arith.cmpi ne, %rem3A_289, %ne3A_290 : i32
        %and3A_292 = arith.andi %ne3A_288, %ne3A_291 : i1
        %sub3A_293 = arith.constant 1 : i32
        %sub3A_294 = arith.subi %div3A_273, %sub3A_293 : i32
        %select_n3A_295 = arith.select %and3A_292, %sub3A_294, %div3A_273 : i32
        %add3A_296 = arith.addi %mul3A_2, %select_n3A_295 : i32
        %jit3A_297 = arith.constant 12 : i32
        %eq3A_298 = arith.constant 0 : i32
        %eq3A_299 = arith.cmpi eq, %jit3A_297, %eq3A_298 : i32
        %jit3A_300 = arith.constant 1 : i32
        %select_n3A_301 = arith.select %eq3A_299, %jit3A_300, %jit3A_297 : i32
        %rem3A_302 = arith.remsi %add3A_271, %select_n3A_301 : i32
        %ne3A_303 = arith.constant 0 : i32
        %ne3A_304 = arith.cmpi ne, %rem3A_302, %ne3A_303 : i32
        %lt3A_305 = arith.constant 0 : i32
        %lt3A_306 = arith.cmpi slt, %rem3A_302, %lt3A_305 : i32
        %lt3A_307 = arith.constant 0 : i32
        %lt3A_308 = arith.cmpi slt, %select_n3A_301, %lt3A_307 : i32
        %ne3A_309 = arith.xori %lt3A_306, %lt3A_308 : i1
        %and3A_310 = arith.andi %ne3A_309, %ne3A_304 : i1
        %add3A_311 = arith.addi %rem3A_302, %select_n3A_301 : i32
        %select_n3A_312 = arith.select %and3A_310, %add3A_311, %rem3A_302 : i32
        %mul3A_313 = arith.constant 8 : i32
        %mul3A_314 = arith.muli %select_n3A_312, %mul3A_313 : i32
        %dma_start3A_315 = arith.constant 0 : i32
        %dma_start3A_316 = tpu.memref_slice %arg2[%add3A_296, %mul3A_314, %dma_start3A_315] : memref<64x96x4096xf32, #tpu.memory_space<hbm>> -> memref<1x8x4096xf32, #tpu.memory_space<hbm>>
        %dma_start3A_317 = tpu.memref_squeeze %dma_start3A_316 : memref<1x8x4096xf32, #tpu.memory_space<hbm>> -> memref<8x4096xf32, #tpu.memory_space<hbm>>
        %dma_start3A_318 = arith.constant 0 : i32
        %dma_start3A_319 = tpu.memref_slice %arg2[%add3A_296, %mul3A_314, %dma_start3A_318] : memref<64x96x4096xf32, #tpu.memory_space<hbm>> -> memref<1x8x4096xf32, #tpu.memory_space<hbm>>
        %dma_start3A_320 = tpu.memref_squeeze %dma_start3A_319 : memref<1x8x4096xf32, #tpu.memory_space<hbm>> -> memref<8x4096xf32, #tpu.memory_space<hbm>>
        tpu.enqueue_dma source(%dma_start3A_320 : memref<8x4096xf32, #tpu.memory_space<hbm>>) target(%arg6 : memref<8x4096xf32, #tpu.memory_space<vmem>>) target_semaphore(%arg10 : memref<!tpu.dma_semaphore, #tpu.memory_space<semaphore_mem>>)
      } else {
      }
      %jit3A_154 = arith.constant 12 : i32
      %div3A_155 = arith.divsi %add3A_50, %jit3A_154 : i32
      %sign3A_156 = arith.constant 0 : i32
      %sign3A_157 = arith.cmpi sgt, %add3A_50, %sign3A_156 : i32
      %sign3A_158 = arith.extui %sign3A_157 : i1 to i32
      %sign3A_159 = arith.constant 0 : i32
      %sign3A_160 = arith.cmpi slt, %add3A_50, %sign3A_159 : i32
      %sign3A_161 = arith.extui %sign3A_160 : i1 to i32
      %sign3A_162 = arith.subi %sign3A_158, %sign3A_161 : i32
      %sign3A_163 = arith.constant 0 : i32
      %sign3A_164 = arith.cmpi sgt, %jit3A_154, %sign3A_163 : i32
      %sign3A_165 = arith.extui %sign3A_164 : i1 to i32
      %sign3A_166 = arith.constant 0 : i32
      %sign3A_167 = arith.cmpi slt, %jit3A_154, %sign3A_166 : i32
      %sign3A_168 = arith.extui %sign3A_167 : i1 to i32
      %sign3A_169 = arith.subi %sign3A_165, %sign3A_168 : i32
      %ne3A_170 = arith.cmpi ne, %sign3A_162, %sign3A_169 : i32
      %rem3A_171 = arith.remsi %add3A_50, %jit3A_154 : i32
      %ne3A_172 = arith.constant 0 : i32
      %ne3A_173 = arith.cmpi ne, %rem3A_171, %ne3A_172 : i32
      %and3A_174 = arith.andi %ne3A_170, %ne3A_173 : i1
      %sub3A_175 = arith.constant 1 : i32
      %sub3A_176 = arith.subi %div3A_155, %sub3A_175 : i32
      %select_n3A_177 = arith.select %and3A_174, %sub3A_176, %div3A_155 : i32
      %add3A_178 = arith.addi %mul3A_2, %select_n3A_177 : i32
      %jit3A_179 = arith.constant 12 : i32
      %eq3A_180 = arith.constant 0 : i32
      %eq3A_181 = arith.cmpi eq, %jit3A_179, %eq3A_180 : i32
      %jit3A_182 = arith.constant 1 : i32
      %select_n3A_183 = arith.select %eq3A_181, %jit3A_182, %jit3A_179 : i32
      %rem3A_184 = arith.remsi %add3A_50, %select_n3A_183 : i32
      %ne3A_185 = arith.constant 0 : i32
      %ne3A_186 = arith.cmpi ne, %rem3A_184, %ne3A_185 : i32
      %lt3A_187 = arith.constant 0 : i32
      %lt3A_188 = arith.cmpi slt, %rem3A_184, %lt3A_187 : i32
      %lt3A_189 = arith.constant 0 : i32
      %lt3A_190 = arith.cmpi slt, %select_n3A_183, %lt3A_189 : i32
      %ne3A_191 = arith.xori %lt3A_188, %lt3A_190 : i1
      %and3A_192 = arith.andi %ne3A_191, %ne3A_186 : i1
      %add3A_193 = arith.addi %rem3A_184, %select_n3A_183 : i32
      %select_n3A_194 = arith.select %and3A_192, %add3A_193, %rem3A_184 : i32
      %mul3A_195 = arith.constant 8 : i32
      %mul3A_196 = arith.muli %select_n3A_194, %mul3A_195 : i32
      %dma_wait3A_197 = arith.constant 0 : i32
      %dma_wait3A_198 = tpu.memref_slice %arg2[%add3A_178, %mul3A_196, %dma_wait3A_197] : memref<64x96x4096xf32, #tpu.memory_space<hbm>> -> memref<1x8x4096xf32, #tpu.memory_space<hbm>>
      %dma_wait3A_199 = tpu.memref_squeeze %dma_wait3A_198 : memref<1x8x4096xf32, #tpu.memory_space<hbm>> -> memref<8x4096xf32, #tpu.memory_space<hbm>>
      %dma_wait3A_200 = arith.constant 0 : i32
      %dma_wait3A_201 = tpu.memref_slice %arg2[%add3A_178, %mul3A_196, %dma_wait3A_200] : memref<64x96x4096xf32, #tpu.memory_space<hbm>> -> memref<1x8x4096xf32, #tpu.memory_space<hbm>>
      %dma_wait3A_202 = tpu.memref_squeeze %dma_wait3A_201 : memref<1x8x4096xf32, #tpu.memory_space<hbm>> -> memref<8x4096xf32, #tpu.memory_space<hbm>>
      tpu.wait_dma2 semaphore(%arg11 : memref<!tpu.dma_semaphore, #tpu.memory_space<semaphore_mem>>) src(%dma_wait3A_202 : memref<8x4096xf32, #tpu.memory_space<hbm>>) dst(%arg7 : memref<8x4096xf32, #tpu.memory_space<vmem>>)
      %gt3A_203 = arith.constant 0 : i32
      %gt3A_204 = arith.cmpi sgt, %scan3A_46, %gt3A_203 : i32
      %convert_element_type3A_205 = arith.extui %gt3A_204 : i1 to i32
      %cond3A_206 = arith.constant 0 : i32
      %cond3A_207 = arith.cmpi ne, %convert_element_type3A_205, %cond3A_206 : i32
      scf.if %cond3A_207 {
        %sub3A_270 = arith.constant 2 : i32
        %sub3A_271 = arith.subi %add3A_50, %sub3A_270 : i32
        %jit3A_272 = arith.constant 12 : i32
        %div3A_273 = arith.divsi %sub3A_271, %jit3A_272 : i32
        %sign3A_274 = arith.constant 0 : i32
        %sign3A_275 = arith.cmpi sgt, %sub3A_271, %sign3A_274 : i32
        %sign3A_276 = arith.extui %sign3A_275 : i1 to i32
        %sign3A_277 = arith.constant 0 : i32
        %sign3A_278 = arith.cmpi slt, %sub3A_271, %sign3A_277 : i32
        %sign3A_279 = arith.extui %sign3A_278 : i1 to i32
        %sign3A_280 = arith.subi %sign3A_276, %sign3A_279 : i32
        %sign3A_281 = arith.constant 0 : i32
        %sign3A_282 = arith.cmpi sgt, %jit3A_272, %sign3A_281 : i32
        %sign3A_283 = arith.extui %sign3A_282 : i1 to i32
        %sign3A_284 = arith.constant 0 : i32
        %sign3A_285 = arith.cmpi slt, %jit3A_272, %sign3A_284 : i32
        %sign3A_286 = arith.extui %sign3A_285 : i1 to i32
        %sign3A_287 = arith.subi %sign3A_283, %sign3A_286 : i32
        %ne3A_288 = arith.cmpi ne, %sign3A_280, %sign3A_287 : i32
        %rem3A_289 = arith.remsi %sub3A_271, %jit3A_272 : i32
        %ne3A_290 = arith.constant 0 : i32
        %ne3A_291 = arith.cmpi ne, %rem3A_289, %ne3A_290 : i32
        %and3A_292 = arith.andi %ne3A_288, %ne3A_291 : i1
        %sub3A_293 = arith.constant 1 : i32
        %sub3A_294 = arith.subi %div3A_273, %sub3A_293 : i32
        %select_n3A_295 = arith.select %and3A_292, %sub3A_294, %div3A_273 : i32
        %add3A_296 = arith.addi %mul3A_2, %select_n3A_295 : i32
        %jit3A_297 = arith.constant 12 : i32
        %eq3A_298 = arith.constant 0 : i32
        %eq3A_299 = arith.cmpi eq, %jit3A_297, %eq3A_298 : i32
        %jit3A_300 = arith.constant 1 : i32
        %select_n3A_301 = arith.select %eq3A_299, %jit3A_300, %jit3A_297 : i32
        %rem3A_302 = arith.remsi %sub3A_271, %select_n3A_301 : i32
        %ne3A_303 = arith.constant 0 : i32
        %ne3A_304 = arith.cmpi ne, %rem3A_302, %ne3A_303 : i32
        %lt3A_305 = arith.constant 0 : i32
        %lt3A_306 = arith.cmpi slt, %rem3A_302, %lt3A_305 : i32
        %lt3A_307 = arith.constant 0 : i32
        %lt3A_308 = arith.cmpi slt, %select_n3A_301, %lt3A_307 : i32
        %ne3A_309 = arith.xori %lt3A_306, %lt3A_308 : i1
        %and3A_310 = arith.andi %ne3A_309, %ne3A_304 : i1
        %add3A_311 = arith.addi %rem3A_302, %select_n3A_301 : i32
        %select_n3A_312 = arith.select %and3A_310, %add3A_311, %rem3A_302 : i32
        %mul3A_313 = arith.constant 8 : i32
        %mul3A_314 = arith.muli %select_n3A_312, %mul3A_313 : i32
        %dma_wait3A_315 = arith.constant 0 : i32
        %dma_wait3A_316 = tpu.memref_slice %arg4[%add3A_296, %mul3A_314, %dma_wait3A_315] : memref<64x96x1024xf32, #tpu.memory_space<hbm>> -> memref<1x8x1024xf32, #tpu.memory_space<hbm>>
        %dma_wait3A_317 = tpu.memref_squeeze %dma_wait3A_316 : memref<1x8x1024xf32, #tpu.memory_space<hbm>> -> memref<8x1024xf32, #tpu.memory_space<hbm>>
        %dma_wait3A_318 = arith.constant 0 : i32
        %dma_wait3A_319 = tpu.memref_slice %arg4[%add3A_296, %mul3A_314, %dma_wait3A_318] : memref<64x96x1024xf32, #tpu.memory_space<hbm>> -> memref<1x8x1024xf32, #tpu.memory_space<hbm>>
        %dma_wait3A_320 = tpu.memref_squeeze %dma_wait3A_319 : memref<1x8x1024xf32, #tpu.memory_space<hbm>> -> memref<8x1024xf32, #tpu.memory_space<hbm>>
        tpu.wait_dma2 semaphore(%arg13 : memref<!tpu.dma_semaphore, #tpu.memory_space<semaphore_mem>>) src(%arg9 : memref<8x1024xf32, #tpu.memory_space<vmem>>) dst(%dma_wait3A_320 : memref<8x1024xf32, #tpu.memory_space<hbm>>)
      } else {
      }
      %scan3A_208 = arith.constant 0 : i32
      %scan3A_209 = arith.constant 0 : i32
      %scan3A_210 = arith.constant 32 : i32
      %scan3A_211 = arith.addi %scan3A_209, %scan3A_210 : i32
      %scan3A_212 = arith.constant 1 : i32
      scf.for %scan3A_270 = %scan3A_209 to %scan3A_211 step %scan3A_212  : i32 {
        %mul3A_271 = arith.constant 32 : i32
        %mul3A_272 = arith.muli %mul3A_271, %scan3A_270 : i32
        %add3A_273 = arith.constant 0 : i32
        %add3A_274 = arith.addi %mul3A_272, %add3A_273 : i32
        %get3A = arith.index_cast %add3A_274 : i32 to index
        %get3A_275 = tpu.vector_load %arg5[%get3A] {strides = array<i32>} : memref<1024xi32, #tpu.memory_space<vmem>>, vector<16xi32>,
        %add3A_276 = arith.constant 16 : i32
        %add3A_277 = arith.addi %mul3A_272, %add3A_276 : i32
        %get3A_278 = arith.index_cast %add3A_277 : i32 to index
        %get3A_279 = tpu.vector_load %arg5[%get3A_278] {strides = array<i32>} : memref<1024xi32, #tpu.memory_space<vmem>>, vector<16xi32>,
        %broadcast_in_dim3A = arith.constant 0 : i32
        %broadcast_in_dim3A_280 = vector.broadcast %broadcast_in_dim3A : i32 to vector<16xi32>
        %gather3A = tpu.vector_load_idx %arg7[%broadcast_in_dim3A_280, %get3A_275] : memref<8x4096xf32, #tpu.memory_space<vmem>>[vector<16xi32>, vector<16xi32>], vector<16xf32>,
        %gather3A_281 = tpu.vector_load_idx %arg7[%broadcast_in_dim3A_280, %get3A_279] : memref<8x4096xf32, #tpu.memory_space<vmem>>[vector<16xi32>, vector<16xi32>], vector<16xf32>,
        %broadcast_in_dim3A_282 = arith.constant 1 : i32
        %broadcast_in_dim3A_283 = vector.broadcast %broadcast_in_dim3A_282 : i32 to vector<16xi32>
        %gather3A_284 = tpu.vector_load_idx %arg7[%broadcast_in_dim3A_283, %get3A_275] : memref<8x4096xf32, #tpu.memory_space<vmem>>[vector<16xi32>, vector<16xi32>], vector<16xf32>,
        %gather3A_285 = tpu.vector_load_idx %arg7[%broadcast_in_dim3A_283, %get3A_279] : memref<8x4096xf32, #tpu.memory_space<vmem>>[vector<16xi32>, vector<16xi32>], vector<16xf32>,
        %broadcast_in_dim3A_286 = arith.constant 2 : i32
        %broadcast_in_dim3A_287 = vector.broadcast %broadcast_in_dim3A_286 : i32 to vector<16xi32>
        %gather3A_288 = tpu.vector_load_idx %arg7[%broadcast_in_dim3A_287, %get3A_275] : memref<8x4096xf32, #tpu.memory_space<vmem>>[vector<16xi32>, vector<16xi32>], vector<16xf32>,
        %gather3A_289 = tpu.vector_load_idx %arg7[%broadcast_in_dim3A_287, %get3A_279] : memref<8x4096xf32, #tpu.memory_space<vmem>>[vector<16xi32>, vector<16xi32>], vector<16xf32>,
        %broadcast_in_dim3A_290 = arith.constant 3 : i32
        %broadcast_in_dim3A_291 = vector.broadcast %broadcast_in_dim3A_290 : i32 to vector<16xi32>
        %gather3A_292 = tpu.vector_load_idx %arg7[%broadcast_in_dim3A_291, %get3A_275] : memref<8x4096xf32, #tpu.memory_space<vmem>>[vector<16xi32>, vector<16xi32>], vector<16xf32>,
        %gather3A_293 = tpu.vector_load_idx %arg7[%broadcast_in_dim3A_291, %get3A_279] : memref<8x4096xf32, #tpu.memory_space<vmem>>[vector<16xi32>, vector<16xi32>], vector<16xf32>,
        %broadcast_in_dim3A_294 = arith.constant 4 : i32
        %broadcast_in_dim3A_295 = vector.broadcast %broadcast_in_dim3A_294 : i32 to vector<16xi32>
        %gather3A_296 = tpu.vector_load_idx %arg7[%broadcast_in_dim3A_295, %get3A_275] : memref<8x4096xf32, #tpu.memory_space<vmem>>[vector<16xi32>, vector<16xi32>], vector<16xf32>,
        %gather3A_297 = tpu.vector_load_idx %arg7[%broadcast_in_dim3A_295, %get3A_279] : memref<8x4096xf32, #tpu.memory_space<vmem>>[vector<16xi32>, vector<16xi32>], vector<16xf32>,
        %broadcast_in_dim3A_298 = arith.constant 5 : i32
        %broadcast_in_dim3A_299 = vector.broadcast %broadcast_in_dim3A_298 : i32 to vector<16xi32>
        %gather3A_300 = tpu.vector_load_idx %arg7[%broadcast_in_dim3A_299, %get3A_275] : memref<8x4096xf32, #tpu.memory_space<vmem>>[vector<16xi32>, vector<16xi32>], vector<16xf32>,
        %gather3A_301 = tpu.vector_load_idx %arg7[%broadcast_in_dim3A_299, %get3A_279] : memref<8x4096xf32, #tpu.memory_space<vmem>>[vector<16xi32>, vector<16xi32>], vector<16xf32>,
        %broadcast_in_dim3A_302 = arith.constant 6 : i32
        %broadcast_in_dim3A_303 = vector.broadcast %broadcast_in_dim3A_302 : i32 to vector<16xi32>
        %gather3A_304 = tpu.vector_load_idx %arg7[%broadcast_in_dim3A_303, %get3A_275] : memref<8x4096xf32, #tpu.memory_space<vmem>>[vector<16xi32>, vector<16xi32>], vector<16xf32>,
        %gather3A_305 = tpu.vector_load_idx %arg7[%broadcast_in_dim3A_303, %get3A_279] : memref<8x4096xf32, #tpu.memory_space<vmem>>[vector<16xi32>, vector<16xi32>], vector<16xf32>,
        %broadcast_in_dim3A_306 = arith.constant 7 : i32
        %broadcast_in_dim3A_307 = vector.broadcast %broadcast_in_dim3A_306 : i32 to vector<16xi32>
        %gather3A_308 = tpu.vector_load_idx %arg7[%broadcast_in_dim3A_307, %get3A_275] : memref<8x4096xf32, #tpu.memory_space<vmem>>[vector<16xi32>, vector<16xi32>], vector<16xf32>,
        %gather3A_309 = tpu.vector_load_idx %arg7[%broadcast_in_dim3A_307, %get3A_279] : memref<8x4096xf32, #tpu.memory_space<vmem>>[vector<16xi32>, vector<16xi32>], vector<16xf32>,
        %add3A_310 = arith.constant 0 : i32
        %add3A_311 = arith.addi %mul3A_272, %add3A_310 : i32
        %swap3A = arith.constant 0 : i32
        %swap3A_312 = arith.index_cast %swap3A : i32 to index
        %swap3A_313 = arith.index_cast %add3A_311 : i32 to index
        %swap3A_314 = tpu.vector_load %arg9[%swap3A_312, %swap3A_313] {strides = array<i32>} : memref<8x1024xf32, #tpu.memory_space<vmem>>, vector<16xf32>,
        tpu.vector_store %arg9[%swap3A_312, %swap3A_313], %gather3A {strides = array<i32>} : memref<8x1024xf32, #tpu.memory_space<vmem>>, vector<16xf32>,
        %add3A_315 = arith.constant 16 : i32
        %add3A_316 = arith.addi %mul3A_272, %add3A_315 : i32
        %swap3A_317 = arith.constant 0 : i32
        %swap3A_318 = arith.index_cast %swap3A_317 : i32 to index
        %swap3A_319 = arith.index_cast %add3A_316 : i32 to index
        %swap3A_320 = tpu.vector_load %arg9[%swap3A_318, %swap3A_319] {strides = array<i32>} : memref<8x1024xf32, #tpu.memory_space<vmem>>, vector<16xf32>,
        tpu.vector_store %arg9[%swap3A_318, %swap3A_319], %gather3A_281 {strides = array<i32>} : memref<8x1024xf32, #tpu.memory_space<vmem>>, vector<16xf32>,
        %add3A_321 = arith.constant 0 : i32
        %add3A_322 = arith.addi %mul3A_272, %add3A_321 : i32
        %swap3A_323 = arith.constant 1 : i32
        %swap3A_324 = arith.index_cast %swap3A_323 : i32 to index
        %swap3A_325 = arith.index_cast %add3A_322 : i32 to index
        %swap3A_326 = tpu.vector_load %arg9[%swap3A_324, %swap3A_325] {strides = array<i32>} : memref<8x1024xf32, #tpu.memory_space<vmem>>, vector<16xf32>,
        tpu.vector_store %arg9[%swap3A_324, %swap3A_325], %gather3A_284 {strides = array<i32>} : memref<8x1024xf32, #tpu.memory_space<vmem>>, vector<16xf32>,
        %add3A_327 = arith.constant 16 : i32
        %add3A_328 = arith.addi %mul3A_272, %add3A_327 : i32
        %swap3A_329 = arith.constant 1 : i32
        %swap3A_330 = arith.index_cast %swap3A_329 : i32 to index
        %swap3A_331 = arith.index_cast %add3A_328 : i32 to index
        %swap3A_332 = tpu.vector_load %arg9[%swap3A_330, %swap3A_331] {strides = array<i32>} : memref<8x1024xf32, #tpu.memory_space<vmem>>, vector<16xf32>,
        tpu.vector_store %arg9[%swap3A_330, %swap3A_331], %gather3A_285 {strides = array<i32>} : memref<8x1024xf32, #tpu.memory_space<vmem>>, vector<16xf32>,
        %add3A_333 = arith.constant 0 : i32
        %add3A_334 = arith.addi %mul3A_272, %add3A_333 : i32
        %swap3A_335 = arith.constant 2 : i32
        %swap3A_336 = arith.index_cast %swap3A_335 : i32 to index
        %swap3A_337 = arith.index_cast %add3A_334 : i32 to index
        %swap3A_338 = tpu.vector_load %arg9[%swap3A_336, %swap3A_337] {strides = array<i32>} : memref<8x1024xf32, #tpu.memory_space<vmem>>, vector<16xf32>,
        tpu.vector_store %arg9[%swap3A_336, %swap3A_337], %gather3A_288 {strides = array<i32>} : memref<8x1024xf32, #tpu.memory_space<vmem>>, vector<16xf32>,
        %add3A_339 = arith.constant 16 : i32
        %add3A_340 = arith.addi %mul3A_272, %add3A_339 : i32
        %swap3A_341 = arith.constant 2 : i32
        %swap3A_342 = arith.index_cast %swap3A_341 : i32 to index
        %swap3A_343 = arith.index_cast %add3A_340 : i32 to index
        %swap3A_344 = tpu.vector_load %arg9[%swap3A_342, %swap3A_343] {strides = array<i32>} : memref<8x1024xf32, #tpu.memory_space<vmem>>, vector<16xf32>,
        tpu.vector_store %arg9[%swap3A_342, %swap3A_343], %gather3A_289 {strides = array<i32>} : memref<8x1024xf32, #tpu.memory_space<vmem>>, vector<16xf32>,
        %add3A_345 = arith.constant 0 : i32
        %add3A_346 = arith.addi %mul3A_272, %add3A_345 : i32
        %swap3A_347 = arith.constant 3 : i32
        %swap3A_348 = arith.index_cast %swap3A_347 : i32 to index
        %swap3A_349 = arith.index_cast %add3A_346 : i32 to index
        %swap3A_350 = tpu.vector_load %arg9[%swap3A_348, %swap3A_349] {strides = array<i32>} : memref<8x1024xf32, #tpu.memory_space<vmem>>, vector<16xf32>,
        tpu.vector_store %arg9[%swap3A_348, %swap3A_349], %gather3A_292 {strides = array<i32>} : memref<8x1024xf32, #tpu.memory_space<vmem>>, vector<16xf32>,
        %add3A_351 = arith.constant 16 : i32
        %add3A_352 = arith.addi %mul3A_272, %add3A_351 : i32
        %swap3A_353 = arith.constant 3 : i32
        %swap3A_354 = arith.index_cast %swap3A_353 : i32 to index
        %swap3A_355 = arith.index_cast %add3A_352 : i32 to index
        %swap3A_356 = tpu.vector_load %arg9[%swap3A_354, %swap3A_355] {strides = array<i32>} : memref<8x1024xf32, #tpu.memory_space<vmem>>, vector<16xf32>,
        tpu.vector_store %arg9[%swap3A_354, %swap3A_355], %gather3A_293 {strides = array<i32>} : memref<8x1024xf32, #tpu.memory_space<vmem>>, vector<16xf32>,
        %add3A_357 = arith.constant 0 : i32
        %add3A_358 = arith.addi %mul3A_272, %add3A_357 : i32
        %swap3A_359 = arith.constant 4 : i32
        %swap3A_360 = arith.index_cast %swap3A_359 : i32 to index
        %swap3A_361 = arith.index_cast %add3A_358 : i32 to index
        %swap3A_362 = tpu.vector_load %arg9[%swap3A_360, %swap3A_361] {strides = array<i32>} : memref<8x1024xf32, #tpu.memory_space<vmem>>, vector<16xf32>,
        tpu.vector_store %arg9[%swap3A_360, %swap3A_361], %gather3A_296 {strides = array<i32>} : memref<8x1024xf32, #tpu.memory_space<vmem>>, vector<16xf32>,
        %add3A_363 = arith.constant 16 : i32
        %add3A_364 = arith.addi %mul3A_272, %add3A_363 : i32
        %swap3A_365 = arith.constant 4 : i32
        %swap3A_366 = arith.index_cast %swap3A_365 : i32 to index
        %swap3A_367 = arith.index_cast %add3A_364 : i32 to index
        %swap3A_368 = tpu.vector_load %arg9[%swap3A_366, %swap3A_367] {strides = array<i32>} : memref<8x1024xf32, #tpu.memory_space<vmem>>, vector<16xf32>,
        tpu.vector_store %arg9[%swap3A_366, %swap3A_367], %gather3A_297 {strides = array<i32>} : memref<8x1024xf32, #tpu.memory_space<vmem>>, vector<16xf32>,
        %add3A_369 = arith.constant 0 : i32
        %add3A_370 = arith.addi %mul3A_272, %add3A_369 : i32
        %swap3A_371 = arith.constant 5 : i32
        %swap3A_372 = arith.index_cast %swap3A_371 : i32 to index
        %swap3A_373 = arith.index_cast %add3A_370 : i32 to index
        %swap3A_374 = tpu.vector_load %arg9[%swap3A_372, %swap3A_373] {strides = array<i32>} : memref<8x1024xf32, #tpu.memory_space<vmem>>, vector<16xf32>,
        tpu.vector_store %arg9[%swap3A_372, %swap3A_373], %gather3A_300 {strides = array<i32>} : memref<8x1024xf32, #tpu.memory_space<vmem>>, vector<16xf32>,
        %add3A_375 = arith.constant 16 : i32
        %add3A_376 = arith.addi %mul3A_272, %add3A_375 : i32
        %swap3A_377 = arith.constant 5 : i32
        %swap3A_378 = arith.index_cast %swap3A_377 : i32 to index
        %swap3A_379 = arith.index_cast %add3A_376 : i32 to index
        %swap3A_380 = tpu.vector_load %arg9[%swap3A_378, %swap3A_379] {strides = array<i32>} : memref<8x1024xf32, #tpu.memory_space<vmem>>, vector<16xf32>,
        tpu.vector_store %arg9[%swap3A_378, %swap3A_379], %gather3A_301 {strides = array<i32>} : memref<8x1024xf32, #tpu.memory_space<vmem>>, vector<16xf32>,
        %add3A_381 = arith.constant 0 : i32
        %add3A_382 = arith.addi %mul3A_272, %add3A_381 : i32
        %swap3A_383 = arith.constant 6 : i32
        %swap3A_384 = arith.index_cast %swap3A_383 : i32 to index
        %swap3A_385 = arith.index_cast %add3A_382 : i32 to index
        %swap3A_386 = tpu.vector_load %arg9[%swap3A_384, %swap3A_385] {strides = array<i32>} : memref<8x1024xf32, #tpu.memory_space<vmem>>, vector<16xf32>,
        tpu.vector_store %arg9[%swap3A_384, %swap3A_385], %gather3A_304 {strides = array<i32>} : memref<8x1024xf32, #tpu.memory_space<vmem>>, vector<16xf32>,
        %add3A_387 = arith.constant 16 : i32
        %add3A_388 = arith.addi %mul3A_272, %add3A_387 : i32
        %swap3A_389 = arith.constant 6 : i32
        %swap3A_390 = arith.index_cast %swap3A_389 : i32 to index
        %swap3A_391 = arith.index_cast %add3A_388 : i32 to index
        %swap3A_392 = tpu.vector_load %arg9[%swap3A_390, %swap3A_391] {strides = array<i32>} : memref<8x1024xf32, #tpu.memory_space<vmem>>, vector<16xf32>,
        tpu.vector_store %arg9[%swap3A_390, %swap3A_391], %gather3A_305 {strides = array<i32>} : memref<8x1024xf32, #tpu.memory_space<vmem>>, vector<16xf32>,
        %add3A_393 = arith.constant 0 : i32
        %add3A_394 = arith.addi %mul3A_272, %add3A_393 : i32
        %swap3A_395 = arith.constant 7 : i32
        %swap3A_396 = arith.index_cast %swap3A_395 : i32 to index
        %swap3A_397 = arith.index_cast %add3A_394 : i32 to index
        %swap3A_398 = tpu.vector_load %arg9[%swap3A_396, %swap3A_397] {strides = array<i32>} : memref<8x1024xf32, #tpu.memory_space<vmem>>, vector<16xf32>,
        tpu.vector_store %arg9[%swap3A_396, %swap3A_397], %gather3A_308 {strides = array<i32>} : memref<8x1024xf32, #tpu.memory_space<vmem>>, vector<16xf32>,
        %add3A_399 = arith.constant 16 : i32
        %add3A_400 = arith.addi %mul3A_272, %add3A_399 : i32
        %swap3A_401 = arith.constant 7 : i32
        %swap3A_402 = arith.index_cast %swap3A_401 : i32 to index
        %swap3A_403 = arith.index_cast %add3A_400 : i32 to index
        %swap3A_404 = tpu.vector_load %arg9[%swap3A_402, %swap3A_403] {strides = array<i32>} : memref<8x1024xf32, #tpu.memory_space<vmem>>, vector<16xf32>,
        tpu.vector_store %arg9[%swap3A_402, %swap3A_403], %gather3A_309 {strides = array<i32>} : memref<8x1024xf32, #tpu.memory_space<vmem>>, vector<16xf32>,
      }
      %scan3A_213 = arith.constant 32 : i32
      %jit3A_214 = arith.constant 12 : i32
      %div3A_215 = arith.divsi %add3A_50, %jit3A_214 : i32
      %sign3A_216 = arith.constant 0 : i32
      %sign3A_217 = arith.cmpi sgt, %add3A_50, %sign3A_216 : i32
      %sign3A_218 = arith.extui %sign3A_217 : i1 to i32
      %sign3A_219 = arith.constant 0 : i32
      %sign3A_220 = arith.cmpi slt, %add3A_50, %sign3A_219 : i32
      %sign3A_221 = arith.extui %sign3A_220 : i1 to i32
      %sign3A_222 = arith.subi %sign3A_218, %sign3A_221 : i32
      %sign3A_223 = arith.constant 0 : i32
      %sign3A_224 = arith.cmpi sgt, %jit3A_214, %sign3A_223 : i32
      %sign3A_225 = arith.extui %sign3A_224 : i1 to i32
      %sign3A_226 = arith.constant 0 : i32
      %sign3A_227 = arith.cmpi slt, %jit3A_214, %sign3A_226 : i32
      %sign3A_228 = arith.extui %sign3A_227 : i1 to i32
      %sign3A_229 = arith.subi %sign3A_225, %sign3A_228 : i32
      %ne3A_230 = arith.cmpi ne, %sign3A_222, %sign3A_229 : i32
      %rem3A_231 = arith.remsi %add3A_50, %jit3A_214 : i32
      %ne3A_232 = arith.constant 0 : i32
      %ne3A_233 = arith.cmpi ne, %rem3A_231, %ne3A_232 : i32
      %and3A_234 = arith.andi %ne3A_230, %ne3A_233 : i1
      %sub3A_235 = arith.constant 1 : i32
      %sub3A_236 = arith.subi %div3A_215, %sub3A_235 : i32
      %select_n3A_237 = arith.select %and3A_234, %sub3A_236, %div3A_215 : i32
      %add3A_238 = arith.addi %mul3A_2, %select_n3A_237 : i32
      %jit3A_239 = arith.constant 12 : i32
      %eq3A_240 = arith.constant 0 : i32
      %eq3A_241 = arith.cmpi eq, %jit3A_239, %eq3A_240 : i32
      %jit3A_242 = arith.constant 1 : i32
      %select_n3A_243 = arith.select %eq3A_241, %jit3A_242, %jit3A_239 : i32
      %rem3A_244 = arith.remsi %add3A_50, %select_n3A_243 : i32
      %ne3A_245 = arith.constant 0 : i32
      %ne3A_246 = arith.cmpi ne, %rem3A_244, %ne3A_245 : i32
      %lt3A_247 = arith.constant 0 : i32
      %lt3A_248 = arith.cmpi slt, %rem3A_244, %lt3A_247 : i32
      %lt3A_249 = arith.constant 0 : i32
      %lt3A_250 = arith.cmpi slt, %select_n3A_243, %lt3A_249 : i32
      %ne3A_251 = arith.xori %lt3A_248, %lt3A_250 : i1
      %and3A_252 = arith.andi %ne3A_251, %ne3A_246 : i1
      %add3A_253 = arith.addi %rem3A_244, %select_n3A_243 : i32
      %select_n3A_254 = arith.select %and3A_252, %add3A_253, %rem3A_244 : i32
      %mul3A_255 = arith.constant 8 : i32
      %mul3A_256 = arith.muli %select_n3A_254, %mul3A_255 : i32
      %dma_start3A_257 = arith.constant 0 : i32
      %dma_start3A_258 = tpu.memref_slice %arg4[%add3A_238, %mul3A_256, %dma_start3A_257] : memref<64x96x1024xf32, #tpu.memory_space<hbm>> -> memref<1x8x1024xf32, #tpu.memory_space<hbm>>
      %dma_start3A_259 = tpu.memref_squeeze %dma_start3A_258 : memref<1x8x1024xf32, #tpu.memory_space<hbm>> -> memref<8x1024xf32, #tpu.memory_space<hbm>>
      %dma_start3A_260 = arith.constant 0 : i32
      %dma_start3A_261 = tpu.memref_slice %arg4[%add3A_238, %mul3A_256, %dma_start3A_260] : memref<64x96x1024xf32, #tpu.memory_space<hbm>> -> memref<1x8x1024xf32, #tpu.memory_space<hbm>>
      %dma_start3A_262 = tpu.memref_squeeze %dma_start3A_261 : memref<1x8x1024xf32, #tpu.memory_space<hbm>> -> memref<8x1024xf32, #tpu.memory_space<hbm>>
      tpu.enqueue_dma source(%arg9 : memref<8x1024xf32, #tpu.memory_space<vmem>>) target(%dma_start3A_262 : memref<8x1024xf32, #tpu.memory_space<hbm>>) target_semaphore(%arg13 : memref<!tpu.dma_semaphore, #tpu.memory_space<semaphore_mem>>)
      %add3A_263 = arith.constant 1 : i32
      %add3A_264 = arith.addi %scan3A_46, %add3A_263 : i32
      %lt3A_265 = arith.constant 12 : i32
      %lt3A_266 = arith.cmpi slt, %add3A_264, %lt3A_265 : i32
      %convert_element_type3A_267 = arith.extui %lt3A_266 : i1 to i32
      %cond3A_268 = arith.constant 0 : i32
      %cond3A_269 = arith.cmpi ne, %convert_element_type3A_267, %cond3A_268 : i32
      scf.if %cond3A_269 {
        %add3A_270 = arith.constant 2 : i32
        %add3A_271 = arith.addi %add3A_50, %add3A_270 : i32
        %jit3A_272 = arith.constant 12 : i32
        %div3A_273 = arith.divsi %add3A_271, %jit3A_272 : i32
        %sign3A_274 = arith.constant 0 : i32
        %sign3A_275 = arith.cmpi sgt, %add3A_271, %sign3A_274 : i32
        %sign3A_276 = arith.extui %sign3A_275 : i1 to i32
        %sign3A_277 = arith.constant 0 : i32
        %sign3A_278 = arith.cmpi slt, %add3A_271, %sign3A_277 : i32
        %sign3A_279 = arith.extui %sign3A_278 : i1 to i32
        %sign3A_280 = arith.subi %sign3A_276, %sign3A_279 : i32
        %sign3A_281 = arith.constant 0 : i32
        %sign3A_282 = arith.cmpi sgt, %jit3A_272, %sign3A_281 : i32
        %sign3A_283 = arith.extui %sign3A_282 : i1 to i32
        %sign3A_284 = arith.constant 0 : i32
        %sign3A_285 = arith.cmpi slt, %jit3A_272, %sign3A_284 : i32
        %sign3A_286 = arith.extui %sign3A_285 : i1 to i32
        %sign3A_287 = arith.subi %sign3A_283, %sign3A_286 : i32
        %ne3A_288 = arith.cmpi ne, %sign3A_280, %sign3A_287 : i32
        %rem3A_289 = arith.remsi %add3A_271, %jit3A_272 : i32
        %ne3A_290 = arith.constant 0 : i32
        %ne3A_291 = arith.cmpi ne, %rem3A_289, %ne3A_290 : i32
        %and3A_292 = arith.andi %ne3A_288, %ne3A_291 : i1
        %sub3A_293 = arith.constant 1 : i32
        %sub3A_294 = arith.subi %div3A_273, %sub3A_293 : i32
        %select_n3A_295 = arith.select %and3A_292, %sub3A_294, %div3A_273 : i32
        %add3A_296 = arith.addi %mul3A_2, %select_n3A_295 : i32
        %jit3A_297 = arith.constant 12 : i32
        %eq3A_298 = arith.constant 0 : i32
        %eq3A_299 = arith.cmpi eq, %jit3A_297, %eq3A_298 : i32
        %jit3A_300 = arith.constant 1 : i32
        %select_n3A_301 = arith.select %eq3A_299, %jit3A_300, %jit3A_297 : i32
        %rem3A_302 = arith.remsi %add3A_271, %select_n3A_301 : i32
        %ne3A_303 = arith.constant 0 : i32
        %ne3A_304 = arith.cmpi ne, %rem3A_302, %ne3A_303 : i32
        %lt3A_305 = arith.constant 0 : i32
        %lt3A_306 = arith.cmpi slt, %rem3A_302, %lt3A_305 : i32
        %lt3A_307 = arith.constant 0 : i32
        %lt3A_308 = arith.cmpi slt, %select_n3A_301, %lt3A_307 : i32
        %ne3A_309 = arith.xori %lt3A_306, %lt3A_308 : i1
        %and3A_310 = arith.andi %ne3A_309, %ne3A_304 : i1
        %add3A_311 = arith.addi %rem3A_302, %select_n3A_301 : i32
        %select_n3A_312 = arith.select %and3A_310, %add3A_311, %rem3A_302 : i32
        %mul3A_313 = arith.constant 8 : i32
        %mul3A_314 = arith.muli %select_n3A_312, %mul3A_313 : i32
        %dma_start3A_315 = arith.constant 0 : i32
        %dma_start3A_316 = tpu.memref_slice %arg2[%add3A_296, %mul3A_314, %dma_start3A_315] : memref<64x96x4096xf32, #tpu.memory_space<hbm>> -> memref<1x8x4096xf32, #tpu.memory_space<hbm>>
        %dma_start3A_317 = tpu.memref_squeeze %dma_start3A_316 : memref<1x8x4096xf32, #tpu.memory_space<hbm>> -> memref<8x4096xf32, #tpu.memory_space<hbm>>
        %dma_start3A_318 = arith.constant 0 : i32
        %dma_start3A_319 = tpu.memref_slice %arg2[%add3A_296, %mul3A_314, %dma_start3A_318] : memref<64x96x4096xf32, #tpu.memory_space<hbm>> -> memref<1x8x4096xf32, #tpu.memory_space<hbm>>
        %dma_start3A_320 = tpu.memref_squeeze %dma_start3A_319 : memref<1x8x4096xf32, #tpu.memory_space<hbm>> -> memref<8x4096xf32, #tpu.memory_space<hbm>>
        tpu.enqueue_dma source(%dma_start3A_320 : memref<8x4096xf32, #tpu.memory_space<hbm>>) target(%arg7 : memref<8x4096xf32, #tpu.memory_space<vmem>>) target_semaphore(%arg11 : memref<!tpu.dma_semaphore, #tpu.memory_space<semaphore_mem>>)
      } else {
      }
    }
    %scan3A_26 = arith.constant 12 : i32
    %add3A_27 = arith.constant 1 : i32
    %add3A_28 = arith.addi %mul3A_2, %add3A_27 : i32
    %dma_wait3A = arith.constant 80 : i32
    %dma_wait3A_29 = arith.constant 0 : i32
    %dma_wait3A_30 = tpu.memref_slice %arg4[%add3A_28, %dma_wait3A, %dma_wait3A_29] : memref<64x96x1024xf32, #tpu.memory_space<hbm>> -> memref<1x8x1024xf32, #tpu.memory_space<hbm>>
    %dma_wait3A_31 = tpu.memref_squeeze %dma_wait3A_30 : memref<1x8x1024xf32, #tpu.memory_space<hbm>> -> memref<8x1024xf32, #tpu.memory_space<hbm>>
    %dma_wait3A_32 = arith.constant 80 : i32
    %dma_wait3A_33 = arith.constant 0 : i32
    %dma_wait3A_34 = tpu.memref_slice %arg4[%add3A_28, %dma_wait3A_32, %dma_wait3A_33] : memref<64x96x1024xf32, #tpu.memory_space<hbm>> -> memref<1x8x1024xf32, #tpu.memory_space<hbm>>
    %dma_wait3A_35 = tpu.memref_squeeze %dma_wait3A_34 : memref<1x8x1024xf32, #tpu.memory_space<hbm>> -> memref<8x1024xf32, #tpu.memory_space<hbm>>
    tpu.wait_dma2 semaphore(%arg12 : memref<!tpu.dma_semaphore, #tpu.memory_space<semaphore_mem>>) src(%arg8 : memref<8x1024xf32, #tpu.memory_space<vmem>>) dst(%dma_wait3A_35 : memref<8x1024xf32, #tpu.memory_space<hbm>>)
    %add3A_36 = arith.constant 1 : i32
    %add3A_37 = arith.addi %mul3A_2, %add3A_36 : i32
    %dma_wait3A_38 = arith.constant 88 : i32
    %dma_wait3A_39 = arith.constant 0 : i32
    %dma_wait3A_40 = tpu.memref_slice %arg4[%add3A_37, %dma_wait3A_38, %dma_wait3A_39] : memref<64x96x1024xf32, #tpu.memory_space<hbm>> -> memref<1x8x1024xf32, #tpu.memory_space<hbm>>
    %dma_wait3A_41 = tpu.memref_squeeze %dma_wait3A_40 : memref<1x8x1024xf32, #tpu.memory_space<hbm>> -> memref<8x1024xf32, #tpu.memory_space<hbm>>
    %dma_wait3A_42 = arith.constant 88 : i32
    %dma_wait3A_43 = arith.constant 0 : i32
    %dma_wait3A_44 = tpu.memref_slice %arg4[%add3A_37, %dma_wait3A_42, %dma_wait3A_43] : memref<64x96x1024xf32, #tpu.memory_space<hbm>> -> memref<1x8x1024xf32, #tpu.memory_space<hbm>>
    %dma_wait3A_45 = tpu.memref_squeeze %dma_wait3A_44 : memref<1x8x1024xf32, #tpu.memory_space<hbm>> -> memref<8x1024xf32, #tpu.memory_space<hbm>>
    tpu.wait_dma2 semaphore(%arg13 : memref<!tpu.dma_semaphore, #tpu.memory_space<semaphore_mem>>) src(%arg9 : memref<8x1024xf32, #tpu.memory_space<vmem>>) dst(%dma_wait3A_45 : memref<8x1024xf32, #tpu.memory_space<hbm>>)
    return
  }
}

</mosaic_0001>

<sc_bundles>
// kernel: kernel.3.cloned.1.call-start
scs
__scs_entry_jumppad:
0x0: {  	(pc) =	sbr.rel $0x88, $3  }
0x1: {  	(tag) =	ssettag $0x0;
	lr =	simm.s32 $0x1  }
0x2: {  	[smem:$0x3F9F] =	sst lr;
	_ =	strace $0xD0000000  }
0x3: {  	_ = 	snop  }
0x4: {  	_ = 	snop  }
0x5: {  	_ = 	snop  }
0x6: {  	_ = 	snop  }
0x7: {  	_ = 	snop  }
__scs_overlays_trampoline_lowered:
0x8: {  	[smem:$0x3FAE] =	sst s0  }
0x9: {  	[smem:$0x3FAF] =	sst s1  }
0xa: {  	[smem:$0x3FB0] =	sst s2  }
0xb: {  	[smem:$0x3FB1] =	sst s3  }
0xc: {  	[smem:$0x3FB2] =	sst s4  }
0xd: {  	[smem:$0x3FB3] =	sst s5  }
0xe: {  	[smem:$0x3FB4] =	sst s6  }
0xf: {  	[smem:$0x3FB5] =	sst s7  }
0x10: {  	[smem:$0x3FB6] =	sst s8  }
0x11: {  	[smem:$0x3FB7] =	sst s9;
	s0 =	simm.s32 @!p0 $0x0  }
0x12: {  	s1 =	sld [smem:$0x3F9D];
	s0 =	simm.s32 @p0 $0x1  }
0x13: {  	[smem:$0x3FB8] =	sst s0;
	s0 =	simm.s32 @!p1 $0x0  }
0x14: {  	s2 =	sld [smem:$0x3F9C];
	s0 =	simm.s32 @p1 $0x1  }
0x15: {  	[smem:$0x3FB9] =	sst s0;
	s0 =	simm.s32 @!p2 $0x0  }
0x16: {  	s3 =	sld [smem:$0x3FDB];
	s0 =	simm.s32 @p2 $0x1  }
0x17: {  	s4 =	simm.s32 $0x1BF5;
	[smem:$0x3FBB] =	sst s0  }
0x18: {  	s0 =	sld [smem:$0x3F9E];
	_ =	swait.ge [sflag:s4], $0x0  }
0x19: {  	s7 =	sld [smem:$0x3F9F]  }
0x1a: {  	s8 =	sadd.s32 $0xFFFFE003, lr  }
0x1b: {  	s9 =	sadd.s32 $0xFFFFFEF7, lr;
	s5 =	simm.s32 $0xFFFFFFFF;
	p2 =	slt.u32 s8, $0xFFFFF086  }
0x1c: {  	p1 =	slt.u32 s9, $0xF7A;
	s5 =	simm.s32 @!p2 $0x0  }
0x1d: {  	s5 =	simm.s32 @p1 $0x1;
	p0 =	seq.s32 s7, s2  }
0x1e: {  	s7 =	smul.u32 @!p0 $0xF7A, s2;
	p2 =	seq.s32 @!p0 s5, $0x0  }
0x1f: {  	s9 =	smul.u32 $0xF7A, s1;
	s8 =	simm.s32 @!p0 $0x1BF5;
	p2 =	por !p2, p0  }
0x20: {  	[sflag:s8] =	ssyncset.s32 @!p0 $0xFFFFF086;
	s6 =	sadd.s32 @!p0 s3, s7;
	s7 =	simm.s32 @!p0 $0x108  }
0x21: {  	s3 =	sadd.s32 s3, s9;
	s6 =	sadd.s32 @!p0 $0x88, s6;
	s7 =	simm.s32 @p2 $0x1082  }
0x22: {  	[simem:s7], [sflag:s8] =	dma.local @!p0 [hbm:s6], $0xF7A  }
0x23: {  	s9 =	sor.u32 $0xD0000000, s2;
	s6 =	simm.s32 $0x108;
	_ =	swait.ge @!p0 [sflag:s8], $0x0  }
0x24: {  	s3 =	sadd.s32 $0x88, s3;
	s6 =	simm.s32 @!p1 $0x1082;
	[sflag:s4] =	ssyncset.s32 $0xFFFFF086  }
0x25: {  	[simem:s6], [sflag:s4] =	dma.local [hbm:s3], $0xF7A  }
0x26: {  	[smem:$0x3F9F] =	sst s1;
	(tag) =	ssettag s2;
	_ =	strace s9  }
0x27: {  	s1 =	sld [smem:$0x3FAF]  }
0x28: {  	s2 =	sld [smem:$0x3FB0]  }
0x29: {  	s4 =	sld [smem:$0x3FB2]  }
0x2a: {  	p0 =	seq.s32 s5, $0x0;
	s5 =	sld [smem:$0x3FB3]  }
0x2b: {  	s6 =	sld [smem:$0x3FB4]  }
0x2c: {  	s7 =	sld [smem:$0x3FB5]  }
0x2d: {  	s3 =	simm.s32 $0x108;
	s8 =	sld [smem:$0x3FB6]  }
0x2e: {  	s3 =	simm.s32 @!p0 $0x1082;
	s9 =	sld [smem:$0x3FB7]  }
0x2f: {  	lr =	sadd.s32 s0, s3;
	s0 =	sld [smem:$0x3FAE]  }
0x30: {  	s3 =	sld [smem:$0x3FB1]  }
0x31: {  	[smem:$0x3FBA] =	sst s10  }
0x32: {  	s10 =	sld [smem:$0x3FB8];
	_ =	sdelay $0x3  }
0x33: {  	p0 =	seq.s32 s10, $0x1;
	s10 =	sld [smem:$0x3FBA];
	_ =	sdelay $0x3  }
0x34: {  	[smem:$0x3FBA] =	sst s10  }
0x35: {  	s10 =	sld [smem:$0x3FB9];
	_ =	sdelay $0x3  }
0x36: {  	p1 =	seq.s32 s10, $0x1;
	s10 =	sld [smem:$0x3FBA];
	_ =	sdelay $0x3  }
0x37: {  	[smem:$0x3FBA] =	sst s10  }
0x38: {  	s10 =	sld [smem:$0x3FBB]  }
0x39: {  	_ = 	snop;
	(pc) =	sbr.ind lr, $3  }
0x3a: {  	_ = 	snop  }
0x3b: {  	_ = 	snop  }
0x3c: {  	p2 =	seq.s32 s10, $0x1;
	s10 =	sld [smem:$0x3FBA]  }
0x3d: {  	_ =	shalt  }
0x3e: {  	_ =	shalt  }
0x3f: {  	_ =	shalt  }
0x40: {  	_ =	shalt  }
0x41: {  	_ =	shalt  }
0x42: {  	_ =	shalt  }
0x43: {  	_ =	shalt  }
0x44: {  	_ =	shalt  }
0x45: {  	_ =	shalt  }
0x46: {  	_ =	shalt  }
0x47: {  	_ =	shalt  }
0x48: {  	_ =	shalt  }
0x49: {  	_ =	shalt  }
0x4a: {  	_ =	shalt  }
0x4b: {  	_ =	shalt  }
0x4c: {  	_ =	shalt  }
0x4d: {  	_ =	shalt  }
0x4e: {  	_ =	shalt  }
0x4f: {  	_ =	shalt  }
0x50: {  	_ =	shalt  }
0x51: {  	_ =	shalt  }
0x52: {  	_ =	shalt  }
0x53: {  	_ =	shalt  }
0x54: {  	_ =	shalt  }
0x55: {  	_ =	shalt  }
0x56: {  	_ =	shalt  }
0x57: {  	_ =	shalt  }
0x58: {  	_ =	shalt  }
0x59: {  	_ =	shalt  }
0x5a: {  	_ =	shalt  }
0x5b: {  	_ =	shalt  }
0x5c: {  	_ =	shalt  }
0x5d: {  	_ =	shalt  }
0x5e: {  	_ =	shalt  }
0x5f: {  	_ =	shalt  }
0x60: {  	_ =	shalt  }
0x61: {  	_ =	shalt  }
0x62: {  	_ =	shalt  }
0x63: {  	_ =	shalt  }
0x64: {  	_ =	shalt  }
0x65: {  	_ =	shalt  }
0x66: {  	_ =	shalt  }
0x67: {  	_ =	shalt  }
0x68: {  	_ =	shalt  }
0x69: {  	_ =	shalt  }
0x6a: {  	_ =	shalt  }
0x6b: {  	_ =	shalt  }
0x6c: {  	_ =	shalt  }
0x6d: {  	_ =	shalt  }
0x6e: {  	_ =	shalt  }
0x6f: {  	_ =	shalt  }
0x70: {  	_ =	shalt  }
0x71: {  	_ =	shalt  }
0x72: {  	_ =	shalt  }
0x73: {  	_ =	shalt  }
0x74: {  	_ =	shalt  }
0x75: {  	_ =	shalt  }
0x76: {  	_ =	shalt  }
0x77: {  	_ =	shalt  }
0x78: {  	_ =	shalt  }
0x79: {  	_ =	shalt  }
0x7a: {  	_ =	shalt  }
0x7b: {  	_ =	shalt  }
0x7c: {  	_ =	shalt  }
0x7d: {  	_ =	shalt  }
0x7e: {  	_ =	shalt  }
0x7f: {  	_ =	shalt  }
0x80: {  	_ =	shalt  }
0x81: {  	_ =	shalt  }
0x82: {  	_ =	shalt  }
0x83: {  	_ =	shalt  }
0x84: {  	_ =	shalt  }
0x85: {  	_ =	shalt  }
0x86: {  	_ =	shalt  }
0x87: {  	_ =	shalt  }
.Lfunc_end0:
.L_simem_size_0:
called_computation_lowered:
.L_overlay_start_0:
0x88: {  	s2 =	sld [smem:$0x3FD9]  }
0x89: {  	s3 =	sld [smem:$0x3FFE];
	_ =	sdelay $0x1  }
0x8a: {  	s1 =	srdreg.scid  }
0x8b: {  	s0 =	sand.u32 $0x1, s1  }
0x8c: {  	s14 =	sshll.u32 s0, $0xA;
	s2 =	sadd.s32 s3, s2  }
0x8d: {  	s2 =	sadd.s32 s2, s14  }
0x8e: {  	[smem:$0x3FC6] =	sst s2  }
0x8f: {  	_ = 	snop  }
0x90: {  	s2 =	sld [smem:$0x3FD0];
	_ =	sdelay $0x2  }
0x91: {  	s4 =	simm.s32 $0xA;
	s5 =	simm.s32 $0x10;
	s15 =	sld [smem:$0x3FC9]  }
0x92: {  	[smem:s5], [sflag:s4] =	dma.local [hbm:s2], $0x1  }
0x93: {  	_ =	swait.eq [sflag:s4], $0x1  }
0x94: {  	[sflag:s4] =	ssyncset.done $0x0  }
0x95: {  	[sflag:s4] =	ssyncadd.s32 $0xFFFFFFFF  }
0x96: {  	s16 =	sld [smem:$0x10];
	(tm) =	ssettm $0x1  }
0x97: {  	s17 =	sld [smem:$0x3FFB];
	_ =	sdelay $0x3  }
0x98: {  	_ =	strace s17  }
0x99: {  	s4 =	sld [smem:$0x3FFC];
	_ =	sdelay $0x3  }
0x9a: {  	_ =	strace s4  }
0x9b: {  	s4 =	sld [smem:$0x3FFD];
	_ =	sdelay $0x3  }
0x9c: {  	_ =	strace s4  }
0x9d: {  	_ =	strace $0x8FFFFFFF  }
0x9e: {  	s18 =	sld [smem:$0x3FDB];
	_ =	sdelay $0x1  }
0x9f: {  	s19 =	simm.s32 $_scs_section_size  }
0xa0: {  	s6 =	simm.s32 $_size__tile_overlayer_lowered;
	s7 =	simm.s32 $_tile_overlayer_lowered  }
0xa1: {  	s22 =	simm.s32 $0x1BFF;
	s21 =	sshll.u32 s7, $0x1;
	s4 =	sadd.s32 s19, s18  }
0xa2: {  	s8 =	simm.s32 $0x0;
	s20 =	sshll.u32 s6, $0x1;
	s6 =	sadd.s32 s21, s4  }
0xa3: {  	[timem:s8], [sflag:s22] =	dma.local [hbm:s6], s20  }
0xa4: {  	_ =	swait.ge [sflag:s22], s20  }
0xa5: {  	s5 =	ssub.s32 $0x0, s20;
	[sflag:s22] =	ssyncset.done $0x0  }
0xa6: {  	[sflag:s22] =	ssyncadd.s32 s5;
	_ =	sdelay $0x1  }
0xa7: {  	s23 =	simm.s32 $0x1B8B  }
0xa8: {  	_ =	swait.ge [sflag:s23], $0x1  }
0xa9: {  	[sflag:s23] =	ssyncset.done $0x0  }
0xaa: {  	s25 =	simm.s32 $0x1B8E;
	s24 =	sld [smem:$0x3FFE];
	[sflag:s23] =	ssyncadd.s32 $0xFFFFFFFF  }
0xab: {  	s26 =	simm.s32 $execute0_lowered;
	[smem:$0x3FD2] =	sst s25  }
0xac: {  	s6 =	sshll.u32 s26, $0x1;
	_ =	strace $0x80000046;
	[dreg:$0x1] =	wrdreg $0xFFFFFFFF  }
0xad: {  	s28 =	simm.s32 $_size_execute0_lowered;
	s4 =	sadd.s32 s4, s6;
	[dreg:$0x0] =	wrdreg $0x0  }
0xae: {  	s6 =	sshll.u32 s28, $0x1;
	[dreg:$0x2] =	wrdreg s4  }
0xaf: {  	[dreg:$0x3] =	wrdreg s6  }
0xb0: {  	[dreg:$0x4] =	wrdreg $0xC0  }
0xb1: {  	_ =	task [dreg:s8], $0x5FFFF  }
0xb2: {  	[dreg:$0x1] =	wrdreg $0xFFFFFFFF  }
0xb3: {  	[dreg:$0x0] =	wrdreg $0x60  }
0xb4: {  	[dreg:$0x2] =	wrdreg s15  }
0xb5: {  	[dreg:$0x3] =	wrdreg s24  }
0xb6: {  	[dreg:$0x4] =	wrdreg s16  }
0xb7: {  	[dreg:$0x5] =	wrdreg $0x9  }
0xb8: {  	_ =	task.clear_ibuf [dreg:s8], $0x6FFFF;
	_ =	strace $0x90000046  }
0xb9: {  	s29 =	simm.s32 $0x9;
	_ =	strace $0x80000048  }
0xba: {  	_ =	swait.ge [sflag:s29], $0x1  }
0xbb: {  	[sflag:s29] =	ssyncadd.s32 $0xFFFFFFFF  }
0xbc: {  	_ =	strace $0x90000048  }
0xbd: {  	_ =	sfence  }
0xbe: {  	s30 =	sld [smem:$0x0];
	_ =	sdelay $0x2  }
0xbf: {  	s31 =	sshll.u32 s1, $0xD;
	s1 =	sshrl.u32 s1, $0x2  }
0xc0: {  	s3 =	sand.u32 $0x4000, s31;
	s1 =	sadd.s32 s1, s30  }
0xc1: {  	s0 =	sor.u32 s3, s0;
	s1 =	sshll.u32 s1, $0x11  }
0xc2: {  	s0 =	sor.u32 s1, s0  }
0xc3: {  	s0 =	sadd.s32 $0x8F2B, s0  }
0xc4: {  	[sflag:s0] =	ssyncadd.remote.s32 $0x1  }
0xc5: {  	_ =	sfence.sel $0xFFFF  }
0xc6: {  	[dreg:$0x0] =	wrdreg $0xFFFFFFFF;
	(pc) =	sbr.abs _section_cstart, $3  }
0xc7: {  	[dreg:$0x1] =	wrdreg $0xFFFFFFFF  }
0xc8: {  	_ =	task.clear_ibuf [dreg:s8], $0x2FFFF;
	_ =	strace $0x9FFFFFFF  }
0xc9: {  	(tm) =	ssettm $0x7FFFFFFF  }
tec
execute0_lowered:
.L_overlay_start_1:
0x0: {  	(tag) =	ssettag $0x1  }
0x1: {  	s1 =	rddreg [dreg:$0x0];
	s0 =	srdreg.scid  }
0x2: {  	s2 =	rddreg [dreg:$0x1];
	s4 =	stileid.u32  }
0x3: {  	s3 =	rddreg [dreg:$0x2];
	s10 =	simm.s32 $0x400;
	s11 =	simm.s32 $0x8400  }
0x4: {  	s13 =	simm.s32 $0x1;
	s0 =	sand.u32 $0x1, s0;
	s5 =	sshll.u32 s4, $0x2  }
0x5: {  	s4 =	simm.s32 $0x0;
	s6 =	sshll.u32 s0, $0x1;
	s0 =	ssub.s32 $0x2, s0  }
0x6: {  	s2 =	sadd.s32 $0x600, s2;
	s5 =	sor.u32 s6, s5;
	s7 =	sshrl.u32 s0, $0x1  }
0x7: {  	[smem:$0x7FF] =	sst s4;
	s6 =	smul.u32 $0xC000, s5;
	s0 =	ssub.s32 s0, s7  }
0x8: {  	_ =	strace $0x80000047;
	[dreg:$0x4] =	wrdreg s2;
	s0 =	smax.u32 s0, $0x1  }
0x9: {  	s14 =	simm.s32 $0x10400;
	s31 =	sadd.s32 s1, s6;
	[dreg:$0x7] =	wrdreg s0  }
0xa: {  	s15 =	simm.s32 $0x2;
	[dreg:$0x5] =	wrdreg s31;
	s2 =	sadd.s32 $0x1000, s31  }
0xb: {  	s16 =	simm.s32 $0x12400;
	s6 =	simm.s32 $0x0;
	[dreg:$0x6] =	wrdreg s2  }
.LBB2_1:
0xc: {  	[dreg:$0x8] =	wrdreg s6  }
0xd: {  	s0 =	rddreg [dreg:$0x5]  }
0xe: {  	[tilespmem:s10], [sflag:$0x1] =	stream.linear.gather [hbm4b:s0+s4], $0x8000, $0x38;
	[tilespmem:$0x14400] =	vst v63  }
0xf: {  	s29 =	rddreg [dreg:$0x6]  }
0x10: {  	[tilespmem:s11], [sflag:$0x2] =	stream.linear.gather [hbm4b:s29+s4], $0x8000, $0x38;
	[tilespmem:$0x14400] =	vst v63  }
0x11: {  	s30 =	rddreg [dreg:$0x4];
	s31 =	simm.s32 $0x5  }
0x12: {  	[tilespmem:s4], [sflag:$0x5] =	stream.linear.gather [hbm4b:s30+s4], $0x400, $0x38;
	[tilespmem:$0x14400] =	vst v63  }
0x13: {  	_ =	swait.ge [sflag:s31], $0x400  }
0x14: {  	[sflag:s31] =	ssyncset.done $0x0  }
0x15: {  	s21 =	simm.s32 $0x0;
	[sflag:s31] =	ssyncadd.s32 $0xFFFFFC00  }
.LBB2_2:
0x16: {  	_ =	swait.ge [sflag:s13], $0x8000  }
0x17: {  	p1 =	seq.s32 s21, $0x0;
	[sflag:s13] =	ssyncset.done $0x0  }
0x18: {  	s0 =	simm.s32 @!p1 $0x3;
	[sflag:s13] =	ssyncadd.s32 $0xFFFF8000  }
0x19: {  	s22 =	simm.s32 $0x0;
	_ =	swait.ge @!p1 [sflag:s0], $0x2000  }
0x1a: {  	s26 =	sand.u32 $0x60, s22;
	[sflag:s0] =	ssyncset.done @!p1 $0x0  }
0x1b: {  	s18 =	sand.u32 $0x380, s22;
	s29 =	sor.u32 $0x10, s26;
	[sflag:s0] =	ssyncadd.s32 @!p1 $0xFFFFE000  }
0x1c: {  	s0 =	sor.u32 s29, s18;
	v0 =	vld [tilespmem:s22+$0x0]  }
0x1d: {  	v1 =	vld [tilespmem:s0+$0x0];
	_ =	sdelay $0x3  }
0x1e: {  	v2 =	vshll.u32 v0, $0x3  }
0x1f: {  	v0 =	vand.u32 $0x7F, v0;
	v3 =	vshll.u32 v1, $0x3;
	v2 =	vand.u32 $0xFFFFFC00, v2  }
0x20: {  	v4 =	vor.u32 v0, v2;
	v0 =	vand.u32 $0x7F, v1;
	v1 =	vand.u32 $0xFFFFFC00, v3  }
0x21: {  	v13 =	vor.u32 v0, v1  }
0x22: {  	v0 =	vor.u32 $0x100, v4  }
0x23: {  	v3 =	vor.u32 $0x380, v4  }
0x24: {  	v6 =	vor.u32 $0x80, v13  }
0x25: {  	v7 =	vor.u32 $0x280, v13;
	v1 =	vld.idx.msk [tilespmem:v4+s10+$0x0], $0xffff  }
0x26: {  	v9 =	vor.u32 $0x100, v13;
	v2 =	vld.idx.msk [tilespmem:v13+s10+$0x0], $0xffff  }
0x27: {  	p0 =	sgt.u32 s21, $0x5;
	v12 =	vor.u32 $0x300, v13;
	v5 =	vld.idx.msk [tilespmem:v0+s10+$0x0], $0xffff  }
0x28: {  	s2 =	simm.s32 $0x1;
	p2 =	slt.u32 s21, $0x6;
	s20 =	sshll.u32 s21, $0x1;
	v16 =	vor.u32 $0x80, v4;
	v0 =	vld.idx.msk [tilespmem:v3+s10+$0x0], $0xffff  }
0x29: {  	s23 =	sshllo.u32 s21, $0x1;
	s8 =	simm.s32 $0x0;
	s2 =	simm.s32 @!p0 $0x0;
	v3 =	vld.idx.msk [tilespmem:v6+s10+$0x0], $0xffff  }
0x2a: {  	s19 =	sand.u32 $0x3, s22;
	s28 =	sor.u32 s22, s22;
	s25 =	sor.u32 s2, s5;
	v15 =	vor.u32 $0x200, v13;
	v6 =	vld.idx.msk [tilespmem:v7+s10+$0x0], $0xffff  }
0x2b: {  	s2 =	sand.u32 $0x1C00, s22;
	s6 =	sshll.u32 s19, $0x5;
	s0 =	sshll.u32 s21, $0xE;
	v8 =	vor.u32 $0x180, v4;
	v14 =	vor.u32 $0x380, v13;
	v7 =	vld.idx.msk [tilespmem:v9+s10+$0x0], $0xffff  }
0x2c: {  	s31 =	sadd.s32 $0x0, s6;
	s6 =	simm.s32 $0x0;
	s24 =	sadd.s32 $0xFFFE8000, s0;
	v11 =	vor.u32 $0x200, v4;
	v10 =	vor.u32 $0x300, v4;
	v9 =	vor.u32 $0x280, v4;
	v4 =	vld.idx.msk [tilespmem:v12+s10+$0x0], $0xffff  }
0x2d: {  	s30 =	sadd.s32 $0x10, s31;
	s24 =	smov.u32 @p2 s0;
	s0 =	simm.s32 $0x20;
	v12 =	vor.u32 $0x180, v13;
	v13 =	vld.idx.msk [tilespmem:v16+s10+$0x0], $0xffff  }
.LBB2_3:
0x2e: {  	s22 =	sadd.s32 $0x100, s22  }
0x2f: {  	v15 =	vld.idx.msk [tilespmem:v15+s10+$0x0], $0xffff;
	s6 =	sadd.s32 $0x1, s6;
	s8 =	sadd.s32 $0x20, s8;
	s9 =	smov.u32 s0  }
0x30: {  	p0 =	sne.s32 s0, $0x3E0;
	s0 =	sadd.s32 $0x20, s0;
	s7 =	sand.u32 $0x1C00, s22;
	v14 =	vld.idx.msk [tilespmem:v14+s10+$0x0], $0xffff  }
0x31: {  	s12 =	sand.u32 $0x3, s6;
	s17 =	sor.u32 s22, s9;
	v11 =	vld.idx.msk [tilespmem:v11+s10+$0x0], $0xffff  }
0x32: {  	s12 =	sshll.u32 s12, $0x5;
	v12 =	vld.idx.msk [tilespmem:v12+s10+$0x0], $0xffff  }
0x33: {  	s12 =	sadd.s32 s12, s22;
	v10 =	vld.idx.msk [tilespmem:v10+s10+$0x0], $0xffff  }
0x34: {  	s19 =	sadd.s32 $0x10400, s2;
	s2 =	smov.u32 s7;
	s18 =	sadd.s32 $0x10, s12;
	v8 =	vld.idx.msk [tilespmem:v8+s10+$0x0], $0xffff  }
0x35: {  	s7 =	sor.u32 s26, s19;
	v9 =	vld.idx.msk [tilespmem:v9+s10+$0x0], $0xffff  }
0x36: {  	[tilespmem:s7+$0x80] =	vst v13  }
0x37: {  	s19 =	sor.u32 s29, s19;
	[tilespmem:s7+$0x200] =	vst v11  }
0x38: {  	[tilespmem:s19+$0x200] =	vst v15  }
0x39: {  	[tilespmem:s7+$0x100] =	vst v5  }
0x3a: {  	[tilespmem:s7+$0x180] =	vst v8  }
0x3b: {  	[tilespmem:s7+$0x280] =	vst v9  }
0x3c: {  	[tilespmem:s19+$0x280] =	vst v6  }
0x3d: {  	[tilespmem:s19+$0x180] =	vst v12  }
0x3e: {  	[tilespmem:s19+$0x100] =	vst v7  }
0x3f: {  	[tilespmem:s7+$0x0] =	vst v1  }
0x40: {  	[tilespmem:s19+$0x80] =	vst v3  }
0x41: {  	s26 =	sand.u32 $0x60, s9;
	s7 =	sor.u32 $0x300, s31;
	s31 =	smov.u32 s12;
	[tilespmem:s19+$0x0] =	vst v2  }
0x42: {  	s9 =	sand.u32 $0x380, s9;
	s29 =	sor.u32 $0x10, s26;
	[tilespmem:s7+$0x10400] =	vst v10;
	s7 =	sor.u32 $0x300, s30  }
0x43: {  	s9 =	sor.u32 s29, s9;
	[tilespmem:s7+$0x10400] =	vst v4;
	s7 =	sor.u32 $0x380, s28;
	s28 =	smov.u32 s17  }
0x44: {  	[tilespmem:s7+$0x10400] =	vst v0;
	s7 =	sor.u32 $0x380, s30;
	s30 =	smov.u32 s18  }
0x45: {  	[tilespmem:s7+$0x10400] =	vst v14  }
0x46: {  	v0 =	vld [tilespmem:s8+$0x0]  }
0x47: {  	v1 =	vld [tilespmem:s9+$0x0];
	_ =	sdelay $0x3  }
0x48: {  	v2 =	vand.u32 $0x7F, v0;
	v0 =	vshll.u32 v0, $0x3  }
0x49: {  	v0 =	vand.u32 $0xFFFFFC00, v0;
	v3 =	vshll.u32 v1, $0x3  }
0x4a: {  	v1 =	vand.u32 $0x7F, v1;
	v0 =	vor.u32 v2, v0;
	v2 =	vand.u32 $0xFFFFFC00, v3  }
0x4b: {  	v3 =	vor.u32 v1, v2;
	v4 =	vor.u32 $0x100, v0  }
0x4c: {  	v13 =	vor.u32 $0x80, v0;
	v8 =	vor.u32 $0x180, v0;
	v11 =	vor.u32 $0x200, v0  }
0x4d: {  	v9 =	vor.u32 $0x280, v0;
	v10 =	vor.u32 $0x300, v0;
	v6 =	vor.u32 $0x380, v0  }
0x4e: {  	v7 =	vor.u32 $0x80, v3;
	v16 =	vor.u32 $0x100, v3;
	v12 =	vor.u32 $0x180, v3  }
0x4f: {  	v15 =	vor.u32 $0x200, v3;
	v17 =	vor.u32 $0x280, v3;
	v18 =	vor.u32 $0x300, v3;
	v1 =	vld.idx.msk [tilespmem:v0+s10+$0x0], $0xffff  }
0x50: {  	v14 =	vor.u32 $0x380, v3;
	v2 =	vld.idx.msk [tilespmem:v3+s10+$0x0], $0xffff  }
0x51: {  	v5 =	vld.idx.msk [tilespmem:v4+s10+$0x0], $0xffff  }
0x52: {  	v0 =	vld.idx.msk [tilespmem:v6+s10+$0x0], $0xffff  }
.Ltmp0:
0x53: {  	v3 =	vld.idx.msk [tilespmem:v7+s10+$0x0], $0xffff;
	(pc) =	sbr.rel @p0 .LBB2_3-.Ltmp0, $4  }
0x54: {  	v6 =	vld.idx.msk [tilespmem:v17+s10+$0x0], $0xffff  }
0x55: {  	v7 =	vld.idx.msk [tilespmem:v16+s10+$0x0], $0xffff  }
0x56: {  	v4 =	vld.idx.msk [tilespmem:v18+s10+$0x0], $0xffff  }
0x57: {  	v13 =	vld.idx.msk [tilespmem:v13+s10+$0x0], $0xffff  }
0x58: {  	_ =	sdelay $0x3  }
0x59: {  	v15 =	vld.idx.msk [tilespmem:v15+s10+$0x0], $0xffff  }
0x5a: {  	v14 =	vld.idx.msk [tilespmem:v14+s10+$0x0], $0xffff  }
0x5b: {  	v11 =	vld.idx.msk [tilespmem:v11+s10+$0x0], $0xffff  }
0x5c: {  	v12 =	vld.idx.msk [tilespmem:v12+s10+$0x0], $0xffff  }
0x5d: {  	v10 =	vld.idx.msk [tilespmem:v10+s10+$0x0], $0xffff;
	s0 =	sadd.s32 $0x10400, s2  }
0x5e: {  	v8 =	vld.idx.msk [tilespmem:v8+s10+$0x0], $0xffff;
	s2 =	sor.u32 s26, s0  }
0x5f: {  	v9 =	vld.idx.msk [tilespmem:v9+s10+$0x0], $0xffff;
	[tilespmem:s2+$0x100] =	vst v5  }
0x60: {  	s0 =	sor.u32 s29, s0;
	[tilespmem:s2+$0x0] =	vst v1  }
0x61: {  	[tilespmem:s0+$0x100] =	vst v7  }
0x62: {  	[tilespmem:s0+$0x0] =	vst v2  }
0x63: {  	[tilespmem:s2+$0x80] =	vst v13  }
0x64: {  	[tilespmem:s2+$0x200] =	vst v11  }
0x65: {  	[tilespmem:s2+$0x180] =	vst v8  }
0x66: {  	[tilespmem:s2+$0x280] =	vst v9  }
0x67: {  	s22 =	smul.u32 $0x18000, s25;
	[tilespmem:s0+$0x80] =	vst v3  }
0x68: {  	[tilespmem:s0+$0x200] =	vst v15  }
0x69: {  	p0 =	seq.s32 s21, $0xB;
	s12 =	sadd.s32 s24, s22;
	[tilespmem:s0+$0x280] =	vst v6  }
0x6a: {  	s7 =	sor.u32 $0x300, s31;
	s6 =	sadd.s32 @!p0 $0x2, s20;
	s2 =	sshrl.u32 s12, $0x3;
	[tilespmem:s0+$0x180] =	vst v12  }
0x6b: {  	s8 =	sor.u32 $0x300, s30;
	s18 =	sadd.s32 s3, s2;
	s2 =	smulhi.u32 @!p0 $0x2AAAAAAB, s6;
	[tilespmem:s7+$0x10400] =	vst v10  }
0x6c: {  	s9 =	sor.u32 $0x380, s28;
	[tilespmem:s8+$0x10400] =	vst v4  }
0x6d: {  	s17 =	sor.u32 $0x380, s30;
	s0 =	sshrl.u32 @!p0 s2, $0x1;
	[tilespmem:s9+$0x10400] =	vst v0  }
0x6e: {  	s2 =	smul.u32 @!p0 $0xC, s0;
	s0 =	sadd.s32 @!p0 s5, s0;
	[tilespmem:s17+$0x10400] =	vst v14  }
0x6f: {  	[hbm4b:s18+s4] =	stream.linear.scatter [tilespmem:s14], [sflag:$0x3], $0x2000, $0x38;
	[tilespmem:$0x14400] =	vst v63  }
0x70: {  	s0 =	smul.u32 @!p0 $0x60000, s0;
	s2 =	ssub.s32 @!p0 s6, s2  }
0x71: {  	s2 =	sshll.u32 @!p0 s2, $0xF  }
0x72: {  	s0 =	sadd.s32 @!p0 s2, s0  }
0x73: {  	s0 =	sshrl.u32 @!p0 s0, $0x3  }
0x74: {  	s6 =	simm.s32 @!p0 $0x400;
	s2 =	simm.s32 @!p0 $0x0;
	s0 =	sadd.s32 @!p0 s1, s0  }
0x75: {  	[tilespmem:s6], [sflag:$0x1] =	stream.linear.gather @!p0 [hbm4b:s0+s2], $0x8000, $0x38;
	[tilespmem:$0x14400] =	vst v63  }
0x76: {  	_ =	swait.ge [sflag:s15], $0x8000  }
0x77: {  	[sflag:s15] =	ssyncset.done $0x0  }
0x78: {  	s0 =	simm.s32 @!p1 $0x4;
	[sflag:s15] =	ssyncadd.s32 $0xFFFF8000  }
0x79: {  	s24 =	simm.s32 $0x0;
	_ =	swait.ge @!p1 [sflag:s0], $0x2000  }
0x7a: {  	s26 =	sand.u32 $0x60, s24;
	[sflag:s0] =	ssyncset.done @!p1 $0x0  }
0x7b: {  	s19 =	sand.u32 $0x380, s24;
	s29 =	sor.u32 $0x10, s26;
	[sflag:s0] =	ssyncadd.s32 @!p1 $0xFFFFE000  }
0x7c: {  	s0 =	sor.u32 s29, s19;
	v0 =	vld [tilespmem:s24+$0x0]  }
0x7d: {  	v1 =	vld [tilespmem:s0+$0x0];
	_ =	sdelay $0x3  }
0x7e: {  	v2 =	vshll.u32 v0, $0x3  }
0x7f: {  	v0 =	vand.u32 $0x7F, v0;
	v3 =	vshll.u32 v1, $0x3;
	v2 =	vand.u32 $0xFFFFFC00, v2  }
0x80: {  	v4 =	vor.u32 v0, v2;
	v0 =	vand.u32 $0x7F, v1;
	v1 =	vand.u32 $0xFFFFFC00, v3  }
0x81: {  	v13 =	vor.u32 v0, v1  }
0x82: {  	v0 =	vor.u32 $0x100, v4  }
0x83: {  	v3 =	vor.u32 $0x380, v4  }
0x84: {  	v6 =	vor.u32 $0x80, v13  }
0x85: {  	v7 =	vor.u32 $0x280, v13;
	v1 =	vld.idx.msk [tilespmem:v4+s11+$0x0], $0xffff  }
0x86: {  	v9 =	vor.u32 $0x100, v13;
	v2 =	vld.idx.msk [tilespmem:v13+s11+$0x0], $0xffff  }
0x87: {  	s25 =	smulhi.u32 $0x2AAAAAAB, s23;
	v12 =	vor.u32 $0x300, v13;
	v5 =	vld.idx.msk [tilespmem:v0+s11+$0x0], $0xffff  }
0x88: {  	v16 =	vor.u32 $0x80, v4;
	v0 =	vld.idx.msk [tilespmem:v3+s11+$0x0], $0xffff  }
0x89: {  	s31 =	sand.u32 $0x3, s24;
	s0 =	sshrl.u32 s25, $0x1;
	v3 =	vld.idx.msk [tilespmem:v6+s11+$0x0], $0xffff  }
0x8a: {  	s21 =	sadd.s32 $0x1, s21;
	s6 =	sshll.u32 s31, $0x5;
	s0 =	smul.u32 $0xC, s0;
	v15 =	vor.u32 $0x200, v13;
	v6 =	vld.idx.msk [tilespmem:v7+s11+$0x0], $0xffff  }
0x8b: {  	s8 =	simm.s32 $0x0;
	s2 =	sand.u32 $0x1C00, s24;
	s30 =	sadd.s32 $0x0, s6;
	v8 =	vor.u32 $0x180, v4;
	v14 =	vor.u32 $0x380, v13;
	v7 =	vld.idx.msk [tilespmem:v9+s11+$0x0], $0xffff  }
0x8c: {  	s6 =	simm.s32 $0x0;
	s28 =	sadd.s32 $0x10, s30;
	s0 =	ssub.s32 s23, s0;
	v11 =	vor.u32 $0x200, v4;
	v10 =	vor.u32 $0x300, v4;
	v9 =	vor.u32 $0x280, v4;
	v4 =	vld.idx.msk [tilespmem:v12+s11+$0x0], $0xffff  }
0x8d: {  	s25 =	sor.u32 s24, s24;
	s23 =	sshll.u32 s0, $0xD;
	s0 =	simm.s32 $0x20;
	v12 =	vor.u32 $0x180, v13;
	v13 =	vld.idx.msk [tilespmem:v16+s11+$0x0], $0xffff  }
.LBB2_5:
0x8e: {  	s24 =	sadd.s32 $0x100, s24  }
0x8f: {  	v15 =	vld.idx.msk [tilespmem:v15+s11+$0x0], $0xffff;
	s6 =	sadd.s32 $0x1, s6;
	s8 =	sadd.s32 $0x20, s8;
	s7 =	smov.u32 s0  }
0x90: {  	p1 =	sne.s32 s0, $0x3E0;
	s0 =	sadd.s32 $0x20, s0;
	s9 =	sand.u32 $0x1C00, s24;
	v14 =	vld.idx.msk [tilespmem:v14+s11+$0x0], $0xffff  }
0x91: {  	s12 =	sand.u32 $0x3, s6;
	s17 =	sor.u32 s24, s7;
	v11 =	vld.idx.msk [tilespmem:v11+s11+$0x0], $0xffff  }
0x92: {  	s12 =	sshll.u32 s12, $0x5;
	v12 =	vld.idx.msk [tilespmem:v12+s11+$0x0], $0xffff  }
0x93: {  	s12 =	sadd.s32 s12, s24;
	v10 =	vld.idx.msk [tilespmem:v10+s11+$0x0], $0xffff  }
0x94: {  	s19 =	sadd.s32 $0x12400, s2;
	s2 =	smov.u32 s9;
	s18 =	sadd.s32 $0x10, s12;
	v8 =	vld.idx.msk [tilespmem:v8+s11+$0x0], $0xffff  }
0x95: {  	s9 =	sor.u32 s26, s19;
	v9 =	vld.idx.msk [tilespmem:v9+s11+$0x0], $0xffff  }
0x96: {  	[tilespmem:s9+$0x80] =	vst v13  }
0x97: {  	s19 =	sor.u32 s29, s19;
	[tilespmem:s9+$0x200] =	vst v11  }
0x98: {  	[tilespmem:s19+$0x200] =	vst v15  }
0x99: {  	[tilespmem:s9+$0x100] =	vst v5  }
0x9a: {  	[tilespmem:s9+$0x180] =	vst v8  }
0x9b: {  	[tilespmem:s9+$0x280] =	vst v9  }
0x9c: {  	[tilespmem:s19+$0x280] =	vst v6  }
0x9d: {  	[tilespmem:s19+$0x180] =	vst v12  }
0x9e: {  	[tilespmem:s19+$0x100] =	vst v7  }
0x9f: {  	[tilespmem:s9+$0x0] =	vst v1  }
0xa0: {  	[tilespmem:s19+$0x80] =	vst v3  }
0xa1: {  	s26 =	sand.u32 $0x60, s7;
	s9 =	sor.u32 $0x300, s30;
	s30 =	smov.u32 s12;
	[tilespmem:s19+$0x0] =	vst v2  }
0xa2: {  	s7 =	sand.u32 $0x380, s7;
	s29 =	sor.u32 $0x10, s26;
	[tilespmem:s9+$0x12400] =	vst v10;
	s9 =	sor.u32 $0x300, s28  }
0xa3: {  	s7 =	sor.u32 s29, s7;
	[tilespmem:s9+$0x12400] =	vst v4;
	s9 =	sor.u32 $0x380, s25;
	s25 =	smov.u32 s17  }
0xa4: {  	[tilespmem:s9+$0x12400] =	vst v0;
	s9 =	sor.u32 $0x380, s28;
	s28 =	smov.u32 s18  }
0xa5: {  	[tilespmem:s9+$0x12400] =	vst v14  }
0xa6: {  	v0 =	vld [tilespmem:s8+$0x0]  }
0xa7: {  	v1 =	vld [tilespmem:s7+$0x0];
	_ =	sdelay $0x3  }
0xa8: {  	v2 =	vand.u32 $0x7F, v0;
	v0 =	vshll.u32 v0, $0x3  }
0xa9: {  	v0 =	vand.u32 $0xFFFFFC00, v0;
	v3 =	vshll.u32 v1, $0x3  }
0xaa: {  	v1 =	vand.u32 $0x7F, v1;
	v0 =	vor.u32 v2, v0;
	v2 =	vand.u32 $0xFFFFFC00, v3  }
0xab: {  	v3 =	vor.u32 v1, v2;
	v4 =	vor.u32 $0x100, v0  }
0xac: {  	v13 =	vor.u32 $0x80, v0;
	v8 =	vor.u32 $0x180, v0;
	v11 =	vor.u32 $0x200, v0  }
0xad: {  	v9 =	vor.u32 $0x280, v0;
	v10 =	vor.u32 $0x300, v0;
	v6 =	vor.u32 $0x380, v0  }
0xae: {  	v7 =	vor.u32 $0x80, v3;
	v16 =	vor.u32 $0x100, v3;
	v12 =	vor.u32 $0x180, v3  }
0xaf: {  	v15 =	vor.u32 $0x200, v3;
	v17 =	vor.u32 $0x280, v3;
	v18 =	vor.u32 $0x300, v3;
	v1 =	vld.idx.msk [tilespmem:v0+s11+$0x0], $0xffff  }
0xb0: {  	v14 =	vor.u32 $0x380, v3;
	v2 =	vld.idx.msk [tilespmem:v3+s11+$0x0], $0xffff  }
0xb1: {  	v5 =	vld.idx.msk [tilespmem:v4+s11+$0x0], $0xffff  }
0xb2: {  	v0 =	vld.idx.msk [tilespmem:v6+s11+$0x0], $0xffff  }
.Ltmp1:
0xb3: {  	v3 =	vld.idx.msk [tilespmem:v7+s11+$0x0], $0xffff;
	(pc) =	sbr.rel @p1 .LBB2_5-.Ltmp1, $4  }
0xb4: {  	v6 =	vld.idx.msk [tilespmem:v17+s11+$0x0], $0xffff  }
0xb5: {  	v7 =	vld.idx.msk [tilespmem:v16+s11+$0x0], $0xffff  }
0xb6: {  	v4 =	vld.idx.msk [tilespmem:v18+s11+$0x0], $0xffff  }
0xb7: {  	v13 =	vld.idx.msk [tilespmem:v13+s11+$0x0], $0xffff  }
0xb8: {  	_ =	sdelay $0x3  }
0xb9: {  	v15 =	vld.idx.msk [tilespmem:v15+s11+$0x0], $0xffff  }
0xba: {  	v14 =	vld.idx.msk [tilespmem:v14+s11+$0x0], $0xffff  }
0xbb: {  	v11 =	vld.idx.msk [tilespmem:v11+s11+$0x0], $0xffff  }
0xbc: {  	v12 =	vld.idx.msk [tilespmem:v12+s11+$0x0], $0xffff  }
0xbd: {  	v10 =	vld.idx.msk [tilespmem:v10+s11+$0x0], $0xffff;
	s0 =	sadd.s32 $0x12400, s2  }
0xbe: {  	v8 =	vld.idx.msk [tilespmem:v8+s11+$0x0], $0xffff;
	s2 =	sor.u32 s26, s0  }
0xbf: {  	v9 =	vld.idx.msk [tilespmem:v9+s11+$0x0], $0xffff;
	[tilespmem:s2+$0x100] =	vst v5  }
0xc0: {  	s0 =	sor.u32 s29, s0;
	[tilespmem:s2+$0x0] =	vst v1  }
0xc1: {  	[tilespmem:s0+$0x100] =	vst v7  }
0xc2: {  	[tilespmem:s0+$0x0] =	vst v2  }
0xc3: {  	[tilespmem:s2+$0x80] =	vst v13  }
0xc4: {  	[tilespmem:s2+$0x200] =	vst v11  }
0xc5: {  	[tilespmem:s2+$0x180] =	vst v8  }
0xc6: {  	[tilespmem:s2+$0x280] =	vst v9  }
0xc7: {  	[tilespmem:s0+$0x80] =	vst v3  }
0xc8: {  	[tilespmem:s0+$0x200] =	vst v15  }
0xc9: {  	s29 =	sadd.s32 s23, s22;
	[tilespmem:s0+$0x280] =	vst v6  }
0xca: {  	s19 =	sor.u32 $0x300, s30;
	s6 =	sadd.s32 @!p0 $0x3, s20;
	s2 =	sshrl.u32 s29, $0x3;
	[tilespmem:s0+$0x180] =	vst v12  }
0xcb: {  	s24 =	sor.u32 $0x300, s28;
	s31 =	sadd.s32 s3, s2;
	s2 =	smulhi.u32 @!p0 $0x2AAAAAAB, s6;
	[tilespmem:s19+$0x12400] =	vst v10  }
0xcc: {  	s26 =	sor.u32 $0x380, s25;
	[tilespmem:s24+$0x12400] =	vst v4  }
0xcd: {  	s30 =	sor.u32 $0x380, s28;
	s0 =	sshrl.u32 @!p0 s2, $0x1;
	[tilespmem:s26+$0x12400] =	vst v0  }
0xce: {  	s2 =	smul.u32 @!p0 $0xC, s0;
	s0 =	sadd.s32 @!p0 s5, s0;
	[tilespmem:s30+$0x12400] =	vst v14  }
0xcf: {  	[hbm4b:s31+s4] =	stream.linear.scatter [tilespmem:s16], [sflag:$0x4], $0x2000, $0x38;
	[tilespmem:$0x14400] =	vst v63  }
0xd0: {  	s0 =	smul.u32 @!p0 $0x60000, s0;
	s2 =	ssub.s32 @!p0 s6, s2  }
0xd1: {  	s2 =	sshll.u32 @!p0 s2, $0xF  }
0xd2: {  	s0 =	sadd.s32 @!p0 s2, s0  }
0xd3: {  	p1 =	sne.s32 @!p0 s21, $0xC;
	s0 =	sshrl.u32 @!p0 s0, $0x3  }
0xd4: {  	s6 =	simm.s32 @!p0 $0x8400;
	s2 =	simm.s32 @!p0 $0x0;
	s0 =	sadd.s32 @!p0 s1, s0  }
0xd5: {  	[tilespmem:s6], [sflag:$0x2] =	stream.linear.gather @!p0 [hbm4b:s0+s2], $0x8000, $0x38;
	[tilespmem:$0x14400] =	vst v63  }
0xd6: {  	p0 =	por p0, !p1  }
.Ltmp2:
0xd7: {  	_ = 	snop;
	(pc) =	sbr.rel @!p0 .LBB2_2-.Ltmp2, $1  }
0xd8: {  	_ =	sdelay $0x3  }
0xd9: {  	s0 =	simm.s32 $0x3  }
0xda: {  	_ =	swait.ge [sflag:s0], $0x2000  }
0xdb: {  	[sflag:s0] =	ssyncset.done $0x0  }
0xdc: {  	s2 =	simm.s32 $0x4;
	[sflag:s0] =	ssyncadd.s32 $0xFFFFE000  }
0xdd: {  	_ =	swait.ge [sflag:s2], $0x2000  }
0xde: {  	s6 =	rddreg [dreg:$0x8]  }
0xdf: {  	s31 =	rddreg [dreg:$0x7];
	s6 =	sadd.s32 $0x1, s6  }
0xe0: {  	p0 =	sne.s32 s6, s31  }
.Ltmp3:
0xe1: {  	_ = 	snop;
	(pc) =	sbr.rel @p0 .LBB2_1-.Ltmp3, $3  }
0xe2: {  	_ =	sdelay $0x1  }
0xe3: {  	[sflag:s2] =	ssyncset.done $0x0  }
0xe4: {  	[sflag:s2] =	ssyncadd.s32 $0xFFFFE000  }
0xe5: {  	_ =	sfence.sel $0x180000  }
0xe6: {  	[bflag:$0x0] =	sbarrier.arrive $0xFFFF  }
0xe7: {  	_ =	strace $0x90000047  }
0xe8: {  	s0 =	stileid.u32;
	[bflag:$0x2] =	sbarrier.arrive $0xFFFF  }
0xe9: {  	p0 =	sne.s32 s0, $0x0;
	s0 =	rddreg [dreg:$0x3]  }
0xea: {  	s0 =	sadd.s32 @!p0 $0x100000, s0  }
0xeb: {  	[sflag:s0] =	ssyncadd.tile.s32 @!p0 $0x1;
	_ =	shalt  }
.Lfunc_end2:
_tile_overlayer_lowered:
.L_overlay_start_2:
0xec: {  	(tag) =	ssettag $0x2  }
0xed: {  	s0 =	rddreg [dreg:$0x0];
	s2 =	stileid.u32  }
0xee: {  	s1 =	rddreg [dreg:$0x1];
	p0 =	sne.s32 s2, $0x0  }
0xef: {  	s3 =	rddreg [dreg:$0x2];
	[bflag:$0x3] =	sbarrier.arrive $0xFFFF;
	s2 =	simm.s32 @!p0 $0x1C05  }
0xf0: {  	[timem:s3], [sflag:s2] =	dma.local @!p0 [hbm:s0], s1  }
0xf1: {  	s0 =	simm.s32 @!p0 $0x5  }
0xf2: {  	_ =	swait.ge @!p0 [sflag:s0], s1  }
0xf3: {  	s1 =	ssub.s32 @!p0 $0x0, s1;
	[sflag:s0] =	ssyncset.done @!p0 $0x0  }
0xf4: {  	[sflag:s0] =	ssyncadd.s32 @!p0 s1  }
0xf5: {  	[bflag:$0x3] =	sbarrier.arrive $0xFFFF  }
0xf6: {  	_ =	shalt  }

</sc_bundles>
